<compile_context>
chip_gen: v7x
topology: tpu7x:2x2x1
jax: 0.10.2.dev20260603
libtpu: 0.0.44.dev20260713+nightly
codegen_flags: <defaults>
</compile_context>

<pallas_src>
import functools

import jax
import jax.numpy as jnp
from jax import lax
from jax.experimental import pallas as pl
from jax.experimental.pallas import tpu as pltpu
from jax.experimental.pallas import tpu_sc as plsc

NC = 2
NS = 16
L = 16
NW = NC * NS

D = 128
ROWS = 4096 * 200
ROWS_PER_W = ROWS // NW
CHUNK = 200
NCHUNK = ROWS_PER_W // CHUNK
CB = CHUNK * D
NBUF = 2


def _make_sc_permute():
  mesh = plsc.VectorSubcoreMesh(core_axis_name="c", subcore_axis_name="s")

  @functools.partial(
      pl.kernel,
      mesh=mesh,
      out_type=jax.ShapeDtypeStruct((ROWS * D,), jnp.float32),
      scratch_types=(
          [pltpu.VMEM((CB,), jnp.float32) for _ in range(2 * NBUF)]
          + [pltpu.VMEM((D,), jnp.int32)]
          + [pltpu.SemaphoreType.DMA for _ in range(2 * NBUF)]
      ),
      compiler_params=pltpu.CompilerParams(needs_layout_passes=False),
  )
  def permute_kernel(x_hbm, perm_hbm, out_hbm, *scratch):
    ibufs = scratch[:NBUF]
    obufs = scratch[NBUF:2 * NBUF]
    permb = scratch[2 * NBUF]
    isems = scratch[2 * NBUF + 1:2 * NBUF + 1 + NBUF]
    osems = scratch[2 * NBUF + 1 + NBUF:]

    wid = lax.axis_index("s") * NC + lax.axis_index("c")

    pltpu.sync_copy(perm_hbm, permb)
    perm_vecs = [permb[pl.ds(c * L, L)] for c in range(D // L)]

    def permute_chunk(ib, ob):
      @plsc.parallel_loop(0, CHUNK, unroll=4)
      def row_body(r):
        rb = r * D
        for c in range(D // L):
          ob[pl.ds(rb + c * L, L)] = plsc.load_gather(ib, [perm_vecs[c] + rb])

    def chunk_off(g):
      return (g * NW + wid) * CB

    def start_in(g, b):
      pltpu.async_copy(x_hbm.at[pl.ds(chunk_off(g), CB)], ibufs[b], isems[b])

    def start_out(g, b):
      pltpu.async_copy(obufs[b], out_hbm.at[pl.ds(chunk_off(g), CB)],
                       osems[b])

    def wait_in(b):
      pltpu.make_async_copy(x_hbm.at[pl.ds(wid * CB, CB)], ibufs[b],
                            isems[b]).wait()

    def wait_out(b):
      pltpu.make_async_copy(obufs[b], out_hbm.at[pl.ds(wid * CB, CB)],
                            osems[b]).wait()

    for b in range(NBUF):
      start_in(b, b)

    def ring_body(i, carry):
      g = i * NBUF
      for b in range(NBUF):
        @pl.when(i > 0)
        def _():
          wait_out(b)

        wait_in(b)
        permute_chunk(ibufs[b], obufs[b])
        start_out(g + b, b)

        @pl.when(g + b + NBUF < NCHUNK)
        def _():
          start_in(g + b + NBUF, b)
      return carry

    lax.fori_loop(0, NCHUNK // NBUF, ring_body, 0)
    for b in range(NBUF):
      wait_out(b)

  return permute_kernel


_sc_permute = _make_sc_permute()


def kernel(input, permutation):
  x_flat = input.reshape(ROWS * D)
  out_flat = _sc_permute(x_flat, permutation)
  return out_flat.reshape(input.shape)

# --- scband reference (transcript-rebuilt; emitter-appended) ---
"""Pipeline reference for scband-fixed-permutation-17214228922729 (READ-ONLY COPY).

The authoritative reference and input builder live on the scoring server;
editing this copy changes nothing except your own understanding.
"""

import jax, jax.numpy as jnp
import numpy as np


def setup_inputs(seed: int = 0) -> dict:
    key = jax.random.key(seed)
    x = jax.random.normal(key, (4096, 200, 128), dtype=jnp.float32)
    # fixed permutation buffer (reversal permutation of size 128), matches init_kwargs
    permutation = jnp.flip(jnp.arange(128, dtype=jnp.int32))
    return {"input": x, "permutation": permutation}


def reference(input, permutation):
    # index_last_dim(input, permutation) == input[..., permutation]
    return jnp.take(input, permutation, axis=-1)

if __name__ == "__main__":
    import jax
    _d = setup_inputs()
    print(jax.jit(kernel)(*tuple(_d.values())))

</pallas_src>

<mosaic_0001>
#map = affine_map<(d0, d1) -> (0)>
module attributes {stable_mosaic.version = 14 : i64} {
  func.func @permute_kernel(%arg0: i32, %arg1: i32, %arg2: memref<104857600xf32, #tpu.memory_space<hbm>>, %arg3: memref<128xi32, #tpu.memory_space<hbm>>, %arg4: memref<104857600xf32, #tpu.memory_space<hbm>>, %arg5: memref<25600xf32, #tpu.memory_space<vmem>>, %arg6: memref<25600xf32, #tpu.memory_space<vmem>>, %arg7: memref<25600xf32, #tpu.memory_space<vmem>>, %arg8: memref<25600xf32, #tpu.memory_space<vmem>>, %arg9: memref<128xi32, #tpu.memory_space<vmem>>, %arg10: memref<!tpu.dma_semaphore, #tpu.memory_space<semaphore_mem>>, %arg11: memref<!tpu.dma_semaphore, #tpu.memory_space<semaphore_mem>>, %arg12: memref<!tpu.dma_semaphore, #tpu.memory_space<semaphore_mem>>, %arg13: memref<!tpu.dma_semaphore, #tpu.memory_space<semaphore_mem>>) attributes {dimension_semantics = [#tpu.dimension_semantics<core_parallel>, #tpu.dimension_semantics<subcore_parallel>], iteration_bounds = array<i64: 2, 16>, scalar_prefetch = 0 : i64, scratch_operands = 9 : i64, tpu.core_type = #tpu.core_type<sc_vector_subcore>, window_params = [{transform_indices = #map}, {transform_indices = #map}, {transform_indices = #map}]} {
    %mul3A = arith.constant 2 : i32
    %mul3A_0 = arith.muli %arg1, %mul3A : i32
    %add3A = arith.addi %mul3A_0, %arg0 : i32
    "tpu.region"() ({
      %run_scoped3A = tpu.sem_alloc : memref<!tpu.dma_semaphore, #tpu.memory_space<semaphore_mem>>
      tpu.enqueue_dma source(%arg3 : memref<128xi32, #tpu.memory_space<hbm>>) target(%arg9 : memref<128xi32, #tpu.memory_space<vmem>>) target_semaphore(%run_scoped3A : memref<!tpu.dma_semaphore, #tpu.memory_space<semaphore_mem>>)
      tpu.wait_dma2 semaphore(%run_scoped3A : memref<!tpu.dma_semaphore, #tpu.memory_space<semaphore_mem>>) src(%arg3 : memref<128xi32, #tpu.memory_space<hbm>>) dst(%arg9 : memref<128xi32, #tpu.memory_space<vmem>>)
      tpu.yield
    }) : () -> ()
    %get3A = arith.constant 0 : index
    %get3A_1 = tpu.vector_load %arg9[%get3A] {strides = array<i32>} : memref<128xi32, #tpu.memory_space<vmem>>, vector<16xi32>,
    %get3A_2 = arith.constant 16 : index
    %get3A_3 = tpu.vector_load %arg9[%get3A_2] {strides = array<i32>} : memref<128xi32, #tpu.memory_space<vmem>>, vector<16xi32>,
    %get3A_4 = arith.constant 32 : index
    %get3A_5 = tpu.vector_load %arg9[%get3A_4] {strides = array<i32>} : memref<128xi32, #tpu.memory_space<vmem>>, vector<16xi32>,
    %get3A_6 = arith.constant 48 : index
    %get3A_7 = tpu.vector_load %arg9[%get3A_6] {strides = array<i32>} : memref<128xi32, #tpu.memory_space<vmem>>, vector<16xi32>,
    %get3A_8 = arith.constant 64 : index
    %get3A_9 = tpu.vector_load %arg9[%get3A_8] {strides = array<i32>} : memref<128xi32, #tpu.memory_space<vmem>>, vector<16xi32>,
    %get3A_10 = arith.constant 80 : index
    %get3A_11 = tpu.vector_load %arg9[%get3A_10] {strides = array<i32>} : memref<128xi32, #tpu.memory_space<vmem>>, vector<16xi32>,
    %get3A_12 = arith.constant 96 : index
    %get3A_13 = tpu.vector_load %arg9[%get3A_12] {strides = array<i32>} : memref<128xi32, #tpu.memory_space<vmem>>, vector<16xi32>,
    %get3A_14 = arith.constant 112 : index
    %get3A_15 = tpu.vector_load %arg9[%get3A_14] {strides = array<i32>} : memref<128xi32, #tpu.memory_space<vmem>>, vector<16xi32>,
    %add3A_16 = arith.constant 0 : i32
    %add3A_17 = arith.addi %add3A_16, %add3A : i32
    %mul3A_18 = arith.constant 25600 : i32
    %mul3A_19 = arith.muli %add3A_17, %mul3A_18 : i32
    %dma_start3A = tpu.memref_slice %arg2[%mul3A_19] : memref<104857600xf32, #tpu.memory_space<hbm>> -> memref<25600xf32, #tpu.memory_space<hbm>>
    %dma_start3A_20 = tpu.memref_slice %arg2[%mul3A_19] : memref<104857600xf32, #tpu.memory_space<hbm>> -> memref<25600xf32, #tpu.memory_space<hbm>>
    tpu.enqueue_dma source(%dma_start3A_20 : memref<25600xf32, #tpu.memory_space<hbm>>) target(%arg5 : memref<25600xf32, #tpu.memory_space<vmem>>) target_semaphore(%arg10 : memref<!tpu.dma_semaphore, #tpu.memory_space<semaphore_mem>>)
    %add3A_21 = arith.constant 32 : i32
    %add3A_22 = arith.addi %add3A_21, %add3A : i32
    %mul3A_23 = arith.constant 25600 : i32
    %mul3A_24 = arith.muli %add3A_22, %mul3A_23 : i32
    %dma_start3A_25 = tpu.memref_slice %arg2[%mul3A_24] : memref<104857600xf32, #tpu.memory_space<hbm>> -> memref<25600xf32, #tpu.memory_space<hbm>>
    %dma_start3A_26 = tpu.memref_slice %arg2[%mul3A_24] : memref<104857600xf32, #tpu.memory_space<hbm>> -> memref<25600xf32, #tpu.memory_space<hbm>>
    tpu.enqueue_dma source(%dma_start3A_26 : memref<25600xf32, #tpu.memory_space<hbm>>) target(%arg6 : memref<25600xf32, #tpu.memory_space<vmem>>) target_semaphore(%arg11 : memref<!tpu.dma_semaphore, #tpu.memory_space<semaphore_mem>>)
    %scan3A = arith.constant 0 : i32
    %scan3A_27 = arith.constant 0 : i32
    %scan3A_28 = arith.constant 64 : i32
    %scan3A_29 = arith.addi %scan3A_27, %scan3A_28 : i32
    %scan3A_30 = arith.constant 1 : i32
    scf.for %scan3A_39 = %scan3A_27 to %scan3A_29 step %scan3A_30  : i32 {
      %mul3A_40 = arith.constant 2 : i32
      %mul3A_41 = arith.muli %scan3A_39, %mul3A_40 : i32
      %gt3A = arith.constant 0 : i32
      %gt3A_42 = arith.cmpi sgt, %scan3A_39, %gt3A : i32
      %convert_element_type3A = arith.extui %gt3A_42 : i1 to i32
      %cond3A = arith.constant 0 : i32
      %cond3A_43 = arith.cmpi ne, %convert_element_type3A, %cond3A : i32
      scf.if %cond3A_43 {
        %mul3A_97 = arith.constant 25600 : i32
        %mul3A_98 = arith.muli %add3A, %mul3A_97 : i32
        %dma_wait3A_99 = tpu.memref_slice %arg4[%mul3A_98] : memref<104857600xf32, #tpu.memory_space<hbm>> -> memref<25600xf32, #tpu.memory_space<hbm>>
        %dma_wait3A_100 = tpu.memref_slice %arg4[%mul3A_98] : memref<104857600xf32, #tpu.memory_space<hbm>> -> memref<25600xf32, #tpu.memory_space<hbm>>
        tpu.wait_dma2 semaphore(%arg12 : memref<!tpu.dma_semaphore, #tpu.memory_space<semaphore_mem>>) src(%arg7 : memref<25600xf32, #tpu.memory_space<vmem>>) dst(%dma_wait3A_100 : memref<25600xf32, #tpu.memory_space<hbm>>)
      } else {
      }
      %mul3A_44 = arith.constant 25600 : i32
      %mul3A_45 = arith.muli %add3A, %mul3A_44 : i32
      %dma_wait3A_46 = tpu.memref_slice %arg2[%mul3A_45] : memref<104857600xf32, #tpu.memory_space<hbm>> -> memref<25600xf32, #tpu.memory_space<hbm>>
      %dma_wait3A_47 = tpu.memref_slice %arg2[%mul3A_45] : memref<104857600xf32, #tpu.memory_space<hbm>> -> memref<25600xf32, #tpu.memory_space<hbm>>
      tpu.wait_dma2 semaphore(%arg10 : memref<!tpu.dma_semaphore, #tpu.memory_space<semaphore_mem>>) src(%dma_wait3A_47 : memref<25600xf32, #tpu.memory_space<hbm>>) dst(%arg5 : memref<25600xf32, #tpu.memory_space<vmem>>)
      %parallel_loop3A = arith.constant 0 : i32
      %parallel_loop3A_48 = arith.constant 200 : i32
      %parallel_loop3A_49 = arith.constant 1 : i32
      scf.for %parallel_loop3A_97 = %parallel_loop3A to %parallel_loop3A_48 step %parallel_loop3A_49  : i32 {
        %parallel_loop3A_98 = arith.constant 128 : i32
        %parallel_loop3A_99 = arith.muli %parallel_loop3A_97, %parallel_loop3A_98 : i32
        %parallel_loop3A_100 = vector.broadcast %parallel_loop3A_99 : i32 to vector<16xi32>
        %parallel_loop3A_101 = arith.addi %get3A_1, %parallel_loop3A_100 : vector<16xi32>
        %parallel_loop3A_102 = tpu.vector_load_idx %arg5[%parallel_loop3A_101] : memref<25600xf32, #tpu.memory_space<vmem>>[vector<16xi32>], vector<16xf32>,
        %parallel_loop3A_103 = arith.constant 0 : i32
        %parallel_loop3A_104 = arith.addi %parallel_loop3A_99, %parallel_loop3A_103 : i32
        %parallel_loop3A_105 = arith.index_cast %parallel_loop3A_104 : i32 to index
        %parallel_loop3A_106 = tpu.vector_load %arg7[%parallel_loop3A_105] {strides = array<i32>} : memref<25600xf32, #tpu.memory_space<vmem>>, vector<16xf32>,
        tpu.vector_store %arg7[%parallel_loop3A_105], %parallel_loop3A_102 {strides = array<i32>} : memref<25600xf32, #tpu.memory_space<vmem>>, vector<16xf32>,
        %parallel_loop3A_107 = vector.broadcast %parallel_loop3A_99 : i32 to vector<16xi32>
        %parallel_loop3A_108 = arith.addi %get3A_3, %parallel_loop3A_107 : vector<16xi32>
        %parallel_loop3A_109 = tpu.vector_load_idx %arg5[%parallel_loop3A_108] : memref<25600xf32, #tpu.memory_space<vmem>>[vector<16xi32>], vector<16xf32>,
        %parallel_loop3A_110 = arith.constant 16 : i32
        %parallel_loop3A_111 = arith.addi %parallel_loop3A_99, %parallel_loop3A_110 : i32
        %parallel_loop3A_112 = arith.index_cast %parallel_loop3A_111 : i32 to index
        %parallel_loop3A_113 = tpu.vector_load %arg7[%parallel_loop3A_112] {strides = array<i32>} : memref<25600xf32, #tpu.memory_space<vmem>>, vector<16xf32>,
        tpu.vector_store %arg7[%parallel_loop3A_112], %parallel_loop3A_109 {strides = array<i32>} : memref<25600xf32, #tpu.memory_space<vmem>>, vector<16xf32>,
        %parallel_loop3A_114 = vector.broadcast %parallel_loop3A_99 : i32 to vector<16xi32>
        %parallel_loop3A_115 = arith.addi %get3A_5, %parallel_loop3A_114 : vector<16xi32>
        %parallel_loop3A_116 = tpu.vector_load_idx %arg5[%parallel_loop3A_115] : memref<25600xf32, #tpu.memory_space<vmem>>[vector<16xi32>], vector<16xf32>,
        %parallel_loop3A_117 = arith.constant 32 : i32
        %parallel_loop3A_118 = arith.addi %parallel_loop3A_99, %parallel_loop3A_117 : i32
        %parallel_loop3A_119 = arith.index_cast %parallel_loop3A_118 : i32 to index
        %parallel_loop3A_120 = tpu.vector_load %arg7[%parallel_loop3A_119] {strides = array<i32>} : memref<25600xf32, #tpu.memory_space<vmem>>, vector<16xf32>,
        tpu.vector_store %arg7[%parallel_loop3A_119], %parallel_loop3A_116 {strides = array<i32>} : memref<25600xf32, #tpu.memory_space<vmem>>, vector<16xf32>,
        %parallel_loop3A_121 = vector.broadcast %parallel_loop3A_99 : i32 to vector<16xi32>
        %parallel_loop3A_122 = arith.addi %get3A_7, %parallel_loop3A_121 : vector<16xi32>
        %parallel_loop3A_123 = tpu.vector_load_idx %arg5[%parallel_loop3A_122] : memref<25600xf32, #tpu.memory_space<vmem>>[vector<16xi32>], vector<16xf32>,
        %parallel_loop3A_124 = arith.constant 48 : i32
        %parallel_loop3A_125 = arith.addi %parallel_loop3A_99, %parallel_loop3A_124 : i32
        %parallel_loop3A_126 = arith.index_cast %parallel_loop3A_125 : i32 to index
        %parallel_loop3A_127 = tpu.vector_load %arg7[%parallel_loop3A_126] {strides = array<i32>} : memref<25600xf32, #tpu.memory_space<vmem>>, vector<16xf32>,
        tpu.vector_store %arg7[%parallel_loop3A_126], %parallel_loop3A_123 {strides = array<i32>} : memref<25600xf32, #tpu.memory_space<vmem>>, vector<16xf32>,
        %parallel_loop3A_128 = vector.broadcast %parallel_loop3A_99 : i32 to vector<16xi32>
        %parallel_loop3A_129 = arith.addi %get3A_9, %parallel_loop3A_128 : vector<16xi32>
        %parallel_loop3A_130 = tpu.vector_load_idx %arg5[%parallel_loop3A_129] : memref<25600xf32, #tpu.memory_space<vmem>>[vector<16xi32>], vector<16xf32>,
        %parallel_loop3A_131 = arith.constant 64 : i32
        %parallel_loop3A_132 = arith.addi %parallel_loop3A_99, %parallel_loop3A_131 : i32
        %parallel_loop3A_133 = arith.index_cast %parallel_loop3A_132 : i32 to index
        %parallel_loop3A_134 = tpu.vector_load %arg7[%parallel_loop3A_133] {strides = array<i32>} : memref<25600xf32, #tpu.memory_space<vmem>>, vector<16xf32>,
        tpu.vector_store %arg7[%parallel_loop3A_133], %parallel_loop3A_130 {strides = array<i32>} : memref<25600xf32, #tpu.memory_space<vmem>>, vector<16xf32>,
        %parallel_loop3A_135 = vector.broadcast %parallel_loop3A_99 : i32 to vector<16xi32>
        %parallel_loop3A_136 = arith.addi %get3A_11, %parallel_loop3A_135 : vector<16xi32>
        %parallel_loop3A_137 = tpu.vector_load_idx %arg5[%parallel_loop3A_136] : memref<25600xf32, #tpu.memory_space<vmem>>[vector<16xi32>], vector<16xf32>,
        %parallel_loop3A_138 = arith.constant 80 : i32
        %parallel_loop3A_139 = arith.addi %parallel_loop3A_99, %parallel_loop3A_138 : i32
        %parallel_loop3A_140 = arith.index_cast %parallel_loop3A_139 : i32 to index
        %parallel_loop3A_141 = tpu.vector_load %arg7[%parallel_loop3A_140] {strides = array<i32>} : memref<25600xf32, #tpu.memory_space<vmem>>, vector<16xf32>,
        tpu.vector_store %arg7[%parallel_loop3A_140], %parallel_loop3A_137 {strides = array<i32>} : memref<25600xf32, #tpu.memory_space<vmem>>, vector<16xf32>,
        %parallel_loop3A_142 = vector.broadcast %parallel_loop3A_99 : i32 to vector<16xi32>
        %parallel_loop3A_143 = arith.addi %get3A_13, %parallel_loop3A_142 : vector<16xi32>
        %parallel_loop3A_144 = tpu.vector_load_idx %arg5[%parallel_loop3A_143] : memref<25600xf32, #tpu.memory_space<vmem>>[vector<16xi32>], vector<16xf32>,
        %parallel_loop3A_145 = arith.constant 96 : i32
        %parallel_loop3A_146 = arith.addi %parallel_loop3A_99, %parallel_loop3A_145 : i32
        %parallel_loop3A_147 = arith.index_cast %parallel_loop3A_146 : i32 to index
        %parallel_loop3A_148 = tpu.vector_load %arg7[%parallel_loop3A_147] {strides = array<i32>} : memref<25600xf32, #tpu.memory_space<vmem>>, vector<16xf32>,
        tpu.vector_store %arg7[%parallel_loop3A_147], %parallel_loop3A_144 {strides = array<i32>} : memref<25600xf32, #tpu.memory_space<vmem>>, vector<16xf32>,
        %parallel_loop3A_149 = vector.broadcast %parallel_loop3A_99 : i32 to vector<16xi32>
        %parallel_loop3A_150 = arith.addi %get3A_15, %parallel_loop3A_149 : vector<16xi32>
        %parallel_loop3A_151 = tpu.vector_load_idx %arg5[%parallel_loop3A_150] : memref<25600xf32, #tpu.memory_space<vmem>>[vector<16xi32>], vector<16xf32>,
        %parallel_loop3A_152 = arith.constant 112 : i32
        %parallel_loop3A_153 = arith.addi %parallel_loop3A_99, %parallel_loop3A_152 : i32
        %parallel_loop3A_154 = arith.index_cast %parallel_loop3A_153 : i32 to index
        %parallel_loop3A_155 = tpu.vector_load %arg7[%parallel_loop3A_154] {strides = array<i32>} : memref<25600xf32, #tpu.memory_space<vmem>>, vector<16xf32>,
        tpu.vector_store %arg7[%parallel_loop3A_154], %parallel_loop3A_151 {strides = array<i32>} : memref<25600xf32, #tpu.memory_space<vmem>>, vector<16xf32>,
      } {sc.loop_unroll_factor = 4 : i64, sc.parallel_access}
      %add3A_50 = arith.constant 0 : i32
      %add3A_51 = arith.addi %mul3A_41, %add3A_50 : i32
      %mul3A_52 = arith.constant 32 : i32
      %mul3A_53 = arith.muli %add3A_51, %mul3A_52 : i32
      %add3A_54 = arith.addi %mul3A_53, %add3A : i32
      %mul3A_55 = arith.constant 25600 : i32
      %mul3A_56 = arith.muli %add3A_54, %mul3A_55 : i32
      %dma_start3A_57 = tpu.memref_slice %arg4[%mul3A_56] : memref<104857600xf32, #tpu.memory_space<hbm>> -> memref<25600xf32, #tpu.memory_space<hbm>>
      %dma_start3A_58 = tpu.memref_slice %arg4[%mul3A_56] : memref<104857600xf32, #tpu.memory_space<hbm>> -> memref<25600xf32, #tpu.memory_space<hbm>>
      tpu.enqueue_dma source(%arg7 : memref<25600xf32, #tpu.memory_space<vmem>>) target(%dma_start3A_58 : memref<25600xf32, #tpu.memory_space<hbm>>) target_semaphore(%arg12 : memref<!tpu.dma_semaphore, #tpu.memory_space<semaphore_mem>>)
      %add3A_59 = arith.constant 0 : i32
      %add3A_60 = arith.addi %mul3A_41, %add3A_59 : i32
      %add3A_61 = arith.constant 2 : i32
      %add3A_62 = arith.addi %add3A_60, %add3A_61 : i32
      %lt3A = arith.constant 128 : i32
      %lt3A_63 = arith.cmpi slt, %add3A_62, %lt3A : i32
      %convert_element_type3A_64 = arith.extui %lt3A_63 : i1 to i32
      %cond3A_65 = arith.constant 0 : i32
      %cond3A_66 = arith.cmpi ne, %convert_element_type3A_64, %cond3A_65 : i32
      scf.if %cond3A_66 {
        %add3A_97 = arith.constant 0 : i32
        %add3A_98 = arith.addi %mul3A_41, %add3A_97 : i32
        %add3A_99 = arith.constant 2 : i32
        %add3A_100 = arith.addi %add3A_98, %add3A_99 : i32
        %mul3A_101 = arith.constant 32 : i32
        %mul3A_102 = arith.muli %add3A_100, %mul3A_101 : i32
        %add3A_103 = arith.addi %mul3A_102, %add3A : i32
        %mul3A_104 = arith.constant 25600 : i32
        %mul3A_105 = arith.muli %add3A_103, %mul3A_104 : i32
        %dma_start3A_106 = tpu.memref_slice %arg2[%mul3A_105] : memref<104857600xf32, #tpu.memory_space<hbm>> -> memref<25600xf32, #tpu.memory_space<hbm>>
        %dma_start3A_107 = tpu.memref_slice %arg2[%mul3A_105] : memref<104857600xf32, #tpu.memory_space<hbm>> -> memref<25600xf32, #tpu.memory_space<hbm>>
        tpu.enqueue_dma source(%dma_start3A_107 : memref<25600xf32, #tpu.memory_space<hbm>>) target(%arg5 : memref<25600xf32, #tpu.memory_space<vmem>>) target_semaphore(%arg10 : memref<!tpu.dma_semaphore, #tpu.memory_space<semaphore_mem>>)
      } else {
      }
      %gt3A_67 = arith.constant 0 : i32
      %gt3A_68 = arith.cmpi sgt, %scan3A_39, %gt3A_67 : i32
      %convert_element_type3A_69 = arith.extui %gt3A_68 : i1 to i32
      %cond3A_70 = arith.constant 0 : i32
      %cond3A_71 = arith.cmpi ne, %convert_element_type3A_69, %cond3A_70 : i32
      scf.if %cond3A_71 {
        %mul3A_97 = arith.constant 25600 : i32
        %mul3A_98 = arith.muli %add3A, %mul3A_97 : i32
        %dma_wait3A_99 = tpu.memref_slice %arg4[%mul3A_98] : memref<104857600xf32, #tpu.memory_space<hbm>> -> memref<25600xf32, #tpu.memory_space<hbm>>
        %dma_wait3A_100 = tpu.memref_slice %arg4[%mul3A_98] : memref<104857600xf32, #tpu.memory_space<hbm>> -> memref<25600xf32, #tpu.memory_space<hbm>>
        tpu.wait_dma2 semaphore(%arg13 : memref<!tpu.dma_semaphore, #tpu.memory_space<semaphore_mem>>) src(%arg8 : memref<25600xf32, #tpu.memory_space<vmem>>) dst(%dma_wait3A_100 : memref<25600xf32, #tpu.memory_space<hbm>>)
      } else {
      }
      %mul3A_72 = arith.constant 25600 : i32
      %mul3A_73 = arith.muli %add3A, %mul3A_72 : i32
      %dma_wait3A_74 = tpu.memref_slice %arg2[%mul3A_73] : memref<104857600xf32, #tpu.memory_space<hbm>> -> memref<25600xf32, #tpu.memory_space<hbm>>
      %dma_wait3A_75 = tpu.memref_slice %arg2[%mul3A_73] : memref<104857600xf32, #tpu.memory_space<hbm>> -> memref<25600xf32, #tpu.memory_space<hbm>>
      tpu.wait_dma2 semaphore(%arg11 : memref<!tpu.dma_semaphore, #tpu.memory_space<semaphore_mem>>) src(%dma_wait3A_75 : memref<25600xf32, #tpu.memory_space<hbm>>) dst(%arg6 : memref<25600xf32, #tpu.memory_space<vmem>>)
      %parallel_loop3A_76 = arith.constant 0 : i32
      %parallel_loop3A_77 = arith.constant 200 : i32
      %parallel_loop3A_78 = arith.constant 1 : i32
      scf.for %parallel_loop3A_97 = %parallel_loop3A_76 to %parallel_loop3A_77 step %parallel_loop3A_78  : i32 {
        %parallel_loop3A_98 = arith.constant 128 : i32
        %parallel_loop3A_99 = arith.muli %parallel_loop3A_97, %parallel_loop3A_98 : i32
        %parallel_loop3A_100 = vector.broadcast %parallel_loop3A_99 : i32 to vector<16xi32>
        %parallel_loop3A_101 = arith.addi %get3A_1, %parallel_loop3A_100 : vector<16xi32>
        %parallel_loop3A_102 = tpu.vector_load_idx %arg6[%parallel_loop3A_101] : memref<25600xf32, #tpu.memory_space<vmem>>[vector<16xi32>], vector<16xf32>,
        %parallel_loop3A_103 = arith.constant 0 : i32
        %parallel_loop3A_104 = arith.addi %parallel_loop3A_99, %parallel_loop3A_103 : i32
        %parallel_loop3A_105 = arith.index_cast %parallel_loop3A_104 : i32 to index
        %parallel_loop3A_106 = tpu.vector_load %arg8[%parallel_loop3A_105] {strides = array<i32>} : memref<25600xf32, #tpu.memory_space<vmem>>, vector<16xf32>,
        tpu.vector_store %arg8[%parallel_loop3A_105], %parallel_loop3A_102 {strides = array<i32>} : memref<25600xf32, #tpu.memory_space<vmem>>, vector<16xf32>,
        %parallel_loop3A_107 = vector.broadcast %parallel_loop3A_99 : i32 to vector<16xi32>
        %parallel_loop3A_108 = arith.addi %get3A_3, %parallel_loop3A_107 : vector<16xi32>
        %parallel_loop3A_109 = tpu.vector_load_idx %arg6[%parallel_loop3A_108] : memref<25600xf32, #tpu.memory_space<vmem>>[vector<16xi32>], vector<16xf32>,
        %parallel_loop3A_110 = arith.constant 16 : i32
        %parallel_loop3A_111 = arith.addi %parallel_loop3A_99, %parallel_loop3A_110 : i32
        %parallel_loop3A_112 = arith.index_cast %parallel_loop3A_111 : i32 to index
        %parallel_loop3A_113 = tpu.vector_load %arg8[%parallel_loop3A_112] {strides = array<i32>} : memref<25600xf32, #tpu.memory_space<vmem>>, vector<16xf32>,
        tpu.vector_store %arg8[%parallel_loop3A_112], %parallel_loop3A_109 {strides = array<i32>} : memref<25600xf32, #tpu.memory_space<vmem>>, vector<16xf32>,
        %parallel_loop3A_114 = vector.broadcast %parallel_loop3A_99 : i32 to vector<16xi32>
        %parallel_loop3A_115 = arith.addi %get3A_5, %parallel_loop3A_114 : vector<16xi32>
        %parallel_loop3A_116 = tpu.vector_load_idx %arg6[%parallel_loop3A_115] : memref<25600xf32, #tpu.memory_space<vmem>>[vector<16xi32>], vector<16xf32>,
        %parallel_loop3A_117 = arith.constant 32 : i32
        %parallel_loop3A_118 = arith.addi %parallel_loop3A_99, %parallel_loop3A_117 : i32
        %parallel_loop3A_119 = arith.index_cast %parallel_loop3A_118 : i32 to index
        %parallel_loop3A_120 = tpu.vector_load %arg8[%parallel_loop3A_119] {strides = array<i32>} : memref<25600xf32, #tpu.memory_space<vmem>>, vector<16xf32>,
        tpu.vector_store %arg8[%parallel_loop3A_119], %parallel_loop3A_116 {strides = array<i32>} : memref<25600xf32, #tpu.memory_space<vmem>>, vector<16xf32>,
        %parallel_loop3A_121 = vector.broadcast %parallel_loop3A_99 : i32 to vector<16xi32>
        %parallel_loop3A_122 = arith.addi %get3A_7, %parallel_loop3A_121 : vector<16xi32>
        %parallel_loop3A_123 = tpu.vector_load_idx %arg6[%parallel_loop3A_122] : memref<25600xf32, #tpu.memory_space<vmem>>[vector<16xi32>], vector<16xf32>,
        %parallel_loop3A_124 = arith.constant 48 : i32
        %parallel_loop3A_125 = arith.addi %parallel_loop3A_99, %parallel_loop3A_124 : i32
        %parallel_loop3A_126 = arith.index_cast %parallel_loop3A_125 : i32 to index
        %parallel_loop3A_127 = tpu.vector_load %arg8[%parallel_loop3A_126] {strides = array<i32>} : memref<25600xf32, #tpu.memory_space<vmem>>, vector<16xf32>,
        tpu.vector_store %arg8[%parallel_loop3A_126], %parallel_loop3A_123 {strides = array<i32>} : memref<25600xf32, #tpu.memory_space<vmem>>, vector<16xf32>,
        %parallel_loop3A_128 = vector.broadcast %parallel_loop3A_99 : i32 to vector<16xi32>
        %parallel_loop3A_129 = arith.addi %get3A_9, %parallel_loop3A_128 : vector<16xi32>
        %parallel_loop3A_130 = tpu.vector_load_idx %arg6[%parallel_loop3A_129] : memref<25600xf32, #tpu.memory_space<vmem>>[vector<16xi32>], vector<16xf32>,
        %parallel_loop3A_131 = arith.constant 64 : i32
        %parallel_loop3A_132 = arith.addi %parallel_loop3A_99, %parallel_loop3A_131 : i32
        %parallel_loop3A_133 = arith.index_cast %parallel_loop3A_132 : i32 to index
        %parallel_loop3A_134 = tpu.vector_load %arg8[%parallel_loop3A_133] {strides = array<i32>} : memref<25600xf32, #tpu.memory_space<vmem>>, vector<16xf32>,
        tpu.vector_store %arg8[%parallel_loop3A_133], %parallel_loop3A_130 {strides = array<i32>} : memref<25600xf32, #tpu.memory_space<vmem>>, vector<16xf32>,
        %parallel_loop3A_135 = vector.broadcast %parallel_loop3A_99 : i32 to vector<16xi32>
        %parallel_loop3A_136 = arith.addi %get3A_11, %parallel_loop3A_135 : vector<16xi32>
        %parallel_loop3A_137 = tpu.vector_load_idx %arg6[%parallel_loop3A_136] : memref<25600xf32, #tpu.memory_space<vmem>>[vector<16xi32>], vector<16xf32>,
        %parallel_loop3A_138 = arith.constant 80 : i32
        %parallel_loop3A_139 = arith.addi %parallel_loop3A_99, %parallel_loop3A_138 : i32
        %parallel_loop3A_140 = arith.index_cast %parallel_loop3A_139 : i32 to index
        %parallel_loop3A_141 = tpu.vector_load %arg8[%parallel_loop3A_140] {strides = array<i32>} : memref<25600xf32, #tpu.memory_space<vmem>>, vector<16xf32>,
        tpu.vector_store %arg8[%parallel_loop3A_140], %parallel_loop3A_137 {strides = array<i32>} : memref<25600xf32, #tpu.memory_space<vmem>>, vector<16xf32>,
        %parallel_loop3A_142 = vector.broadcast %parallel_loop3A_99 : i32 to vector<16xi32>
        %parallel_loop3A_143 = arith.addi %get3A_13, %parallel_loop3A_142 : vector<16xi32>
        %parallel_loop3A_144 = tpu.vector_load_idx %arg6[%parallel_loop3A_143] : memref<25600xf32, #tpu.memory_space<vmem>>[vector<16xi32>], vector<16xf32>,
        %parallel_loop3A_145 = arith.constant 96 : i32
        %parallel_loop3A_146 = arith.addi %parallel_loop3A_99, %parallel_loop3A_145 : i32
        %parallel_loop3A_147 = arith.index_cast %parallel_loop3A_146 : i32 to index
        %parallel_loop3A_148 = tpu.vector_load %arg8[%parallel_loop3A_147] {strides = array<i32>} : memref<25600xf32, #tpu.memory_space<vmem>>, vector<16xf32>,
        tpu.vector_store %arg8[%parallel_loop3A_147], %parallel_loop3A_144 {strides = array<i32>} : memref<25600xf32, #tpu.memory_space<vmem>>, vector<16xf32>,
        %parallel_loop3A_149 = vector.broadcast %parallel_loop3A_99 : i32 to vector<16xi32>
        %parallel_loop3A_150 = arith.addi %get3A_15, %parallel_loop3A_149 : vector<16xi32>
        %parallel_loop3A_151 = tpu.vector_load_idx %arg6[%parallel_loop3A_150] : memref<25600xf32, #tpu.memory_space<vmem>>[vector<16xi32>], vector<16xf32>,
        %parallel_loop3A_152 = arith.constant 112 : i32
        %parallel_loop3A_153 = arith.addi %parallel_loop3A_99, %parallel_loop3A_152 : i32
        %parallel_loop3A_154 = arith.index_cast %parallel_loop3A_153 : i32 to index
        %parallel_loop3A_155 = tpu.vector_load %arg8[%parallel_loop3A_154] {strides = array<i32>} : memref<25600xf32, #tpu.memory_space<vmem>>, vector<16xf32>,
        tpu.vector_store %arg8[%parallel_loop3A_154], %parallel_loop3A_151 {strides = array<i32>} : memref<25600xf32, #tpu.memory_space<vmem>>, vector<16xf32>,
      } {sc.loop_unroll_factor = 4 : i64, sc.parallel_access}
      %add3A_79 = arith.constant 1 : i32
      %add3A_80 = arith.addi %mul3A_41, %add3A_79 : i32
      %mul3A_81 = arith.constant 32 : i32
      %mul3A_82 = arith.muli %add3A_80, %mul3A_81 : i32
      %add3A_83 = arith.addi %mul3A_82, %add3A : i32
      %mul3A_84 = arith.constant 25600 : i32
      %mul3A_85 = arith.muli %add3A_83, %mul3A_84 : i32
      %dma_start3A_86 = tpu.memref_slice %arg4[%mul3A_85] : memref<104857600xf32, #tpu.memory_space<hbm>> -> memref<25600xf32, #tpu.memory_space<hbm>>
      %dma_start3A_87 = tpu.memref_slice %arg4[%mul3A_85] : memref<104857600xf32, #tpu.memory_space<hbm>> -> memref<25600xf32, #tpu.memory_space<hbm>>
      tpu.enqueue_dma source(%arg8 : memref<25600xf32, #tpu.memory_space<vmem>>) target(%dma_start3A_87 : memref<25600xf32, #tpu.memory_space<hbm>>) target_semaphore(%arg13 : memref<!tpu.dma_semaphore, #tpu.memory_space<semaphore_mem>>)
      %add3A_88 = arith.constant 1 : i32
      %add3A_89 = arith.addi %mul3A_41, %add3A_88 : i32
      %add3A_90 = arith.constant 2 : i32
      %add3A_91 = arith.addi %add3A_89, %add3A_90 : i32
      %lt3A_92 = arith.constant 128 : i32
      %lt3A_93 = arith.cmpi slt, %add3A_91, %lt3A_92 : i32
      %convert_element_type3A_94 = arith.extui %lt3A_93 : i1 to i32
      %cond3A_95 = arith.constant 0 : i32
      %cond3A_96 = arith.cmpi ne, %convert_element_type3A_94, %cond3A_95 : i32
      scf.if %cond3A_96 {
        %add3A_97 = arith.constant 1 : i32
        %add3A_98 = arith.addi %mul3A_41, %add3A_97 : i32
        %add3A_99 = arith.constant 2 : i32
        %add3A_100 = arith.addi %add3A_98, %add3A_99 : i32
        %mul3A_101 = arith.constant 32 : i32
        %mul3A_102 = arith.muli %add3A_100, %mul3A_101 : i32
        %add3A_103 = arith.addi %mul3A_102, %add3A : i32
        %mul3A_104 = arith.constant 25600 : i32
        %mul3A_105 = arith.muli %add3A_103, %mul3A_104 : i32
        %dma_start3A_106 = tpu.memref_slice %arg2[%mul3A_105] : memref<104857600xf32, #tpu.memory_space<hbm>> -> memref<25600xf32, #tpu.memory_space<hbm>>
        %dma_start3A_107 = tpu.memref_slice %arg2[%mul3A_105] : memref<104857600xf32, #tpu.memory_space<hbm>> -> memref<25600xf32, #tpu.memory_space<hbm>>
        tpu.enqueue_dma source(%dma_start3A_107 : memref<25600xf32, #tpu.memory_space<hbm>>) target(%arg6 : memref<25600xf32, #tpu.memory_space<vmem>>) target_semaphore(%arg11 : memref<!tpu.dma_semaphore, #tpu.memory_space<semaphore_mem>>)
      } else {
      }
    }
    %scan3A_31 = arith.constant 64 : i32
    %mul3A_32 = arith.constant 25600 : i32
    %mul3A_33 = arith.muli %add3A, %mul3A_32 : i32
    %dma_wait3A = tpu.memref_slice %arg4[%mul3A_33] : memref<104857600xf32, #tpu.memory_space<hbm>> -> memref<25600xf32, #tpu.memory_space<hbm>>
    %dma_wait3A_34 = tpu.memref_slice %arg4[%mul3A_33] : memref<104857600xf32, #tpu.memory_space<hbm>> -> memref<25600xf32, #tpu.memory_space<hbm>>
    tpu.wait_dma2 semaphore(%arg12 : memref<!tpu.dma_semaphore, #tpu.memory_space<semaphore_mem>>) src(%arg7 : memref<25600xf32, #tpu.memory_space<vmem>>) dst(%dma_wait3A_34 : memref<25600xf32, #tpu.memory_space<hbm>>)
    %mul3A_35 = arith.constant 25600 : i32
    %mul3A_36 = arith.muli %add3A, %mul3A_35 : i32
    %dma_wait3A_37 = tpu.memref_slice %arg4[%mul3A_36] : memref<104857600xf32, #tpu.memory_space<hbm>> -> memref<25600xf32, #tpu.memory_space<hbm>>
    %dma_wait3A_38 = tpu.memref_slice %arg4[%mul3A_36] : memref<104857600xf32, #tpu.memory_space<hbm>> -> memref<25600xf32, #tpu.memory_space<hbm>>
    tpu.wait_dma2 semaphore(%arg13 : memref<!tpu.dma_semaphore, #tpu.memory_space<semaphore_mem>>) src(%arg8 : memref<25600xf32, #tpu.memory_space<vmem>>) dst(%dma_wait3A_38 : memref<25600xf32, #tpu.memory_space<hbm>>)
    return
  }
}

</mosaic_0001>

<sc_bundles>
// kernel: kernel.3.cloned.1.call-start
scs
__scs_entry_jumppad:
0x0: {  	(pc) =	sbr.rel $0x88, $3  }
0x1: {  	(tag) =	ssettag $0x0;
	lr =	simm.s32 $0x1  }
0x2: {  	[smem:$0x3F9F] =	sst lr;
	_ =	strace $0xD0000000  }
0x3: {  	_ = 	snop  }
0x4: {  	_ = 	snop  }
0x5: {  	_ = 	snop  }
0x6: {  	_ = 	snop  }
0x7: {  	_ = 	snop  }
__scs_overlays_trampoline_lowered:
0x8: {  	[smem:$0x3FAE] =	sst s0  }
0x9: {  	[smem:$0x3FAF] =	sst s1  }
0xa: {  	[smem:$0x3FB0] =	sst s2  }
0xb: {  	[smem:$0x3FB1] =	sst s3  }
0xc: {  	[smem:$0x3FB2] =	sst s4  }
0xd: {  	[smem:$0x3FB3] =	sst s5  }
0xe: {  	[smem:$0x3FB4] =	sst s6  }
0xf: {  	[smem:$0x3FB5] =	sst s7  }
0x10: {  	[smem:$0x3FB6] =	sst s8  }
0x11: {  	[smem:$0x3FB7] =	sst s9;
	s0 =	simm.s32 @!p0 $0x0  }
0x12: {  	s1 =	sld [smem:$0x3F9D];
	s0 =	simm.s32 @p0 $0x1  }
0x13: {  	[smem:$0x3FB8] =	sst s0;
	s0 =	simm.s32 @!p1 $0x0  }
0x14: {  	s2 =	sld [smem:$0x3F9C];
	s0 =	simm.s32 @p1 $0x1  }
0x15: {  	[smem:$0x3FB9] =	sst s0;
	s0 =	simm.s32 @!p2 $0x0  }
0x16: {  	s3 =	sld [smem:$0x3FDB];
	s0 =	simm.s32 @p2 $0x1  }
0x17: {  	s4 =	simm.s32 $0x1BF5;
	[smem:$0x3FBB] =	sst s0  }
0x18: {  	s0 =	sld [smem:$0x3F9E];
	_ =	swait.ge [sflag:s4], $0x0  }
0x19: {  	s7 =	sld [smem:$0x3F9F]  }
0x1a: {  	s8 =	sadd.s32 $0xFFFFE003, lr  }
0x1b: {  	s9 =	sadd.s32 $0xFFFFFEF7, lr;
	s5 =	simm.s32 $0xFFFFFFFF;
	p2 =	slt.u32 s8, $0xFFFFF086  }
0x1c: {  	p1 =	slt.u32 s9, $0xF7A;
	s5 =	simm.s32 @!p2 $0x0  }
0x1d: {  	s5 =	simm.s32 @p1 $0x1;
	p0 =	seq.s32 s7, s2  }
0x1e: {  	s7 =	smul.u32 @!p0 $0xF7A, s2;
	p2 =	seq.s32 @!p0 s5, $0x0  }
0x1f: {  	s9 =	smul.u32 $0xF7A, s1;
	s8 =	simm.s32 @!p0 $0x1BF5;
	p2 =	por !p2, p0  }
0x20: {  	[sflag:s8] =	ssyncset.s32 @!p0 $0xFFFFF086;
	s6 =	sadd.s32 @!p0 s3, s7;
	s7 =	simm.s32 @!p0 $0x108  }
0x21: {  	s3 =	sadd.s32 s3, s9;
	s6 =	sadd.s32 @!p0 $0x88, s6;
	s7 =	simm.s32 @p2 $0x1082  }
0x22: {  	[simem:s7], [sflag:s8] =	dma.local @!p0 [hbm:s6], $0xF7A  }
0x23: {  	s9 =	sor.u32 $0xD0000000, s2;
	s6 =	simm.s32 $0x108;
	_ =	swait.ge @!p0 [sflag:s8], $0x0  }
0x24: {  	s3 =	sadd.s32 $0x88, s3;
	s6 =	simm.s32 @!p1 $0x1082;
	[sflag:s4] =	ssyncset.s32 $0xFFFFF086  }
0x25: {  	[simem:s6], [sflag:s4] =	dma.local [hbm:s3], $0xF7A  }
0x26: {  	[smem:$0x3F9F] =	sst s1;
	(tag) =	ssettag s2;
	_ =	strace s9  }
0x27: {  	s1 =	sld [smem:$0x3FAF]  }
0x28: {  	s2 =	sld [smem:$0x3FB0]  }
0x29: {  	s4 =	sld [smem:$0x3FB2]  }
0x2a: {  	p0 =	seq.s32 s5, $0x0;
	s5 =	sld [smem:$0x3FB3]  }
0x2b: {  	s6 =	sld [smem:$0x3FB4]  }
0x2c: {  	s7 =	sld [smem:$0x3FB5]  }
0x2d: {  	s3 =	simm.s32 $0x108;
	s8 =	sld [smem:$0x3FB6]  }
0x2e: {  	s3 =	simm.s32 @!p0 $0x1082;
	s9 =	sld [smem:$0x3FB7]  }
0x2f: {  	lr =	sadd.s32 s0, s3;
	s0 =	sld [smem:$0x3FAE]  }
0x30: {  	s3 =	sld [smem:$0x3FB1]  }
0x31: {  	[smem:$0x3FBA] =	sst s10  }
0x32: {  	s10 =	sld [smem:$0x3FB8];
	_ =	sdelay $0x3  }
0x33: {  	p0 =	seq.s32 s10, $0x1;
	s10 =	sld [smem:$0x3FBA];
	_ =	sdelay $0x3  }
0x34: {  	[smem:$0x3FBA] =	sst s10  }
0x35: {  	s10 =	sld [smem:$0x3FB9];
	_ =	sdelay $0x3  }
0x36: {  	p1 =	seq.s32 s10, $0x1;
	s10 =	sld [smem:$0x3FBA];
	_ =	sdelay $0x3  }
0x37: {  	[smem:$0x3FBA] =	sst s10  }
0x38: {  	s10 =	sld [smem:$0x3FBB]  }
0x39: {  	_ = 	snop;
	(pc) =	sbr.ind lr, $3  }
0x3a: {  	_ = 	snop  }
0x3b: {  	_ = 	snop  }
0x3c: {  	p2 =	seq.s32 s10, $0x1;
	s10 =	sld [smem:$0x3FBA]  }
0x3d: {  	_ =	shalt  }
0x3e: {  	_ =	shalt  }
0x3f: {  	_ =	shalt  }
0x40: {  	_ =	shalt  }
0x41: {  	_ =	shalt  }
0x42: {  	_ =	shalt  }
0x43: {  	_ =	shalt  }
0x44: {  	_ =	shalt  }
0x45: {  	_ =	shalt  }
0x46: {  	_ =	shalt  }
0x47: {  	_ =	shalt  }
0x48: {  	_ =	shalt  }
0x49: {  	_ =	shalt  }
0x4a: {  	_ =	shalt  }
0x4b: {  	_ =	shalt  }
0x4c: {  	_ =	shalt  }
0x4d: {  	_ =	shalt  }
0x4e: {  	_ =	shalt  }
0x4f: {  	_ =	shalt  }
0x50: {  	_ =	shalt  }
0x51: {  	_ =	shalt  }
0x52: {  	_ =	shalt  }
0x53: {  	_ =	shalt  }
0x54: {  	_ =	shalt  }
0x55: {  	_ =	shalt  }
0x56: {  	_ =	shalt  }
0x57: {  	_ =	shalt  }
0x58: {  	_ =	shalt  }
0x59: {  	_ =	shalt  }
0x5a: {  	_ =	shalt  }
0x5b: {  	_ =	shalt  }
0x5c: {  	_ =	shalt  }
0x5d: {  	_ =	shalt  }
0x5e: {  	_ =	shalt  }
0x5f: {  	_ =	shalt  }
0x60: {  	_ =	shalt  }
0x61: {  	_ =	shalt  }
0x62: {  	_ =	shalt  }
0x63: {  	_ =	shalt  }
0x64: {  	_ =	shalt  }
0x65: {  	_ =	shalt  }
0x66: {  	_ =	shalt  }
0x67: {  	_ =	shalt  }
0x68: {  	_ =	shalt  }
0x69: {  	_ =	shalt  }
0x6a: {  	_ =	shalt  }
0x6b: {  	_ =	shalt  }
0x6c: {  	_ =	shalt  }
0x6d: {  	_ =	shalt  }
0x6e: {  	_ =	shalt  }
0x6f: {  	_ =	shalt  }
0x70: {  	_ =	shalt  }
0x71: {  	_ =	shalt  }
0x72: {  	_ =	shalt  }
0x73: {  	_ =	shalt  }
0x74: {  	_ =	shalt  }
0x75: {  	_ =	shalt  }
0x76: {  	_ =	shalt  }
0x77: {  	_ =	shalt  }
0x78: {  	_ =	shalt  }
0x79: {  	_ =	shalt  }
0x7a: {  	_ =	shalt  }
0x7b: {  	_ =	shalt  }
0x7c: {  	_ =	shalt  }
0x7d: {  	_ =	shalt  }
0x7e: {  	_ =	shalt  }
0x7f: {  	_ =	shalt  }
0x80: {  	_ =	shalt  }
0x81: {  	_ =	shalt  }
0x82: {  	_ =	shalt  }
0x83: {  	_ =	shalt  }
0x84: {  	_ =	shalt  }
0x85: {  	_ =	shalt  }
0x86: {  	_ =	shalt  }
0x87: {  	_ =	shalt  }
.Lfunc_end0:
.L_simem_size_0:
called_computation_lowered:
.L_overlay_start_0:
0x88: {  	s2 =	sld [smem:$0x3FD9]  }
0x89: {  	s3 =	sld [smem:$0x3FFE];
	_ =	sdelay $0x1  }
0x8a: {  	s1 =	srdreg.scid  }
0x8b: {  	s0 =	sand.u32 $0x1, s1  }
0x8c: {  	s18 =	sshll.u32 s0, $0xA;
	s2 =	sadd.s32 s3, s2  }
0x8d: {  	s2 =	sadd.s32 s2, s18  }
0x8e: {  	[smem:$0x3FC6] =	sst s2  }
0x8f: {  	_ = 	snop  }
0x90: {  	s2 =	sld [smem:$0x3FC9]  }
0x91: {  	s19 =	sld [smem:$0x3FC8]  }
0x92: {  	s4 =	sld [smem:$0x3FD0];
	(tm) =	ssettm $0x1  }
0x93: {  	s5 =	sld [smem:$0x3FFB];
	_ =	sdelay $0x3  }
0x94: {  	_ =	strace s5  }
0x95: {  	s5 =	sld [smem:$0x3FFC];
	_ =	sdelay $0x3  }
0x96: {  	_ =	strace s5  }
0x97: {  	s5 =	sld [smem:$0x3FFD];
	_ =	sdelay $0x3  }
0x98: {  	_ =	strace s5  }
0x99: {  	_ =	strace $0x8FFFFFFF  }
0x9a: {  	s20 =	sld [smem:$0x3FDB];
	_ =	sdelay $0x1  }
0x9b: {  	s6 =	simm.s32 $_scs_section_size  }
0x9c: {  	s7 =	simm.s32 $_size__tile_overlayer_lowered;
	s8 =	simm.s32 $_tile_overlayer_lowered  }
0x9d: {  	s23 =	simm.s32 $0x1BFF;
	s22 =	sshll.u32 s8, $0x1;
	s5 =	sadd.s32 s6, s20  }
0x9e: {  	s9 =	simm.s32 $0x0;
	s21 =	sshll.u32 s7, $0x1;
	s7 =	sadd.s32 s22, s5  }
0x9f: {  	[timem:s9], [sflag:s23] =	dma.local [hbm:s7], s21  }
0xa0: {  	_ =	swait.ge [sflag:s23], s21  }
0xa1: {  	s6 =	ssub.s32 $0x0, s21;
	[sflag:s23] =	ssyncset.done $0x0  }
0xa2: {  	[sflag:s23] =	ssyncadd.s32 s6;
	_ =	sdelay $0x1  }
0xa3: {  	s24 =	simm.s32 $0x1B8B  }
0xa4: {  	_ =	swait.ge [sflag:s24], $0x1  }
0xa5: {  	[sflag:s24] =	ssyncset.done $0x0  }
0xa6: {  	s25 =	simm.s32 $0x1B8E;
	[sflag:s24] =	ssyncadd.s32 $0xFFFFFFFF  }
0xa7: {  	s26 =	simm.s32 $execute0_lowered;
	[smem:$0x3FD2] =	sst s25  }
0xa8: {  	s6 =	sshll.u32 s26, $0x1;
	_ =	strace $0x80000046;
	[dreg:$0x1] =	wrdreg $0xFFFFFFFF  }
0xa9: {  	s28 =	simm.s32 $_size_execute0_lowered;
	s5 =	sadd.s32 s5, s6;
	[dreg:$0x0] =	wrdreg $0x0  }
0xaa: {  	s6 =	sshll.u32 s28, $0x1;
	[dreg:$0x2] =	wrdreg s5  }
0xab: {  	[dreg:$0x3] =	wrdreg s6  }
0xac: {  	[dreg:$0x4] =	wrdreg $0xC0  }
0xad: {  	_ =	task [dreg:s9], $0x5FFFF  }
0xae: {  	[dreg:$0x1] =	wrdreg $0xFFFFFFFF  }
0xaf: {  	[dreg:$0x0] =	wrdreg $0x60  }
0xb0: {  	[dreg:$0x2] =	wrdreg s2  }
0xb1: {  	[dreg:$0x3] =	wrdreg s19  }
0xb2: {  	[dreg:$0x4] =	wrdreg s4  }
0xb3: {  	[dreg:$0x5] =	wrdreg $0x9  }
0xb4: {  	_ =	task.clear_ibuf [dreg:s9], $0x6FFFF;
	_ =	strace $0x90000046  }
0xb5: {  	s29 =	simm.s32 $0x9;
	_ =	strace $0x80000048  }
0xb6: {  	_ =	swait.ge [sflag:s29], $0x1  }
0xb7: {  	[sflag:s29] =	ssyncadd.s32 $0xFFFFFFFF  }
0xb8: {  	_ =	strace $0x90000048  }
0xb9: {  	_ =	sfence  }
0xba: {  	s30 =	sld [smem:$0x0];
	_ =	sdelay $0x2  }
0xbb: {  	s31 =	sshll.u32 s1, $0xD;
	s1 =	sshrl.u32 s1, $0x2  }
0xbc: {  	s3 =	sand.u32 $0x4000, s31;
	s1 =	sadd.s32 s1, s30  }
0xbd: {  	s0 =	sor.u32 s3, s0;
	s1 =	sshll.u32 s1, $0x11  }
0xbe: {  	s0 =	sor.u32 s1, s0  }
0xbf: {  	s0 =	sadd.s32 $0x8F2B, s0  }
0xc0: {  	[sflag:s0] =	ssyncadd.remote.s32 $0x1  }
0xc1: {  	_ =	sfence.sel $0xFFFF  }
0xc2: {  	[dreg:$0x0] =	wrdreg $0xFFFFFFFF;
	(pc) =	sbr.abs _section_cstart, $3  }
0xc3: {  	[dreg:$0x1] =	wrdreg $0xFFFFFFFF  }
0xc4: {  	_ =	task.clear_ibuf [dreg:s9], $0x2FFFF;
	_ =	strace $0x9FFFFFFF  }
0xc5: {  	(tm) =	ssettm $0x7FFFFFFF  }
tec
execute0_lowered:
.L_overlay_start_1:
0x0: {  	(tag) =	ssettag $0x1  }
0x1: {  	s1 =	rddreg [dreg:$0x0]  }
0x2: {  	s0 =	srdreg.scid;
	s2 =	stileid.u32  }
0x3: {  	s4 =	rddreg [dreg:$0x2];
	s6 =	simm.s32 $0x0;
	s14 =	simm.s32 $0x6400  }
0x4: {  	s15 =	simm.s32 $0x1;
	s0 =	sand.u32 $0x1, s0;
	s2 =	sshll.u32 s2, $0x1  }
0x5: {  	s16 =	simm.s32 $0xC800;
	s17 =	simm.s32 $0x2;
	s5 =	sor.u32 s0, s2  }
0x6: {  	s18 =	simm.s32 $0x12C00;
	s20 =	simm.s32 $0x4;
	s2 =	smul.u32 $0x6400, s5  }
0x7: {  	[smem:$0x7FF] =	sst s6;
	s0 =	ssub.s32 $0x2, s0;
	s7 =	smul.u32 $0xC80, s5  }
.Ltmp0:
0x8: {  	_ =	strace $0x80000047;
	s3 =	sshrl.u32 s0, $0x1;
	(pc) =	sbr.rel .LBB2_1-.Ltmp0, $4  }
0x9: {  	s0 =	ssub.s32 s0, s3;
	s2 =	sshrl.u32 s2, $0x3;
	s31 =	sadd.s32 s1, s7  }
0xa: {  	s0 =	smax.u32 s0, $0x1;
	s2 =	sadd.s32 s1, s2;
	[dreg:$0x4] =	wrdreg s31  }
0xb: {  	s9 =	sor.u32 $0x40, s5;
	[dreg:$0x6] =	wrdreg s0;
	s2 =	sadd.s32 $0x19000, s2  }
0xc: {  	s10 =	sor.u32 $0x60, s5;
	[dreg:$0x5] =	wrdreg s2;
	s2 =	simm.s32 $0x0  }
.LBB2_8:
0xd: {  	s0 =	simm.s32 $0x3  }
0xe: {  	_ =	swait.ge [sflag:s0], $0x6400  }
0xf: {  	[sflag:s0] =	ssyncset.done $0x0  }
0x10: {  	[sflag:s0] =	ssyncadd.s32 $0xFFFF9C00  }
0x11: {  	_ =	swait.ge [sflag:s20], $0x6400  }
0x12: {  	s2 =	rddreg [dreg:$0x7]  }
0x13: {  	s31 =	rddreg [dreg:$0x6];
	s2 =	sadd.s32 $0x1, s2  }
0x14: {  	p0 =	sne.s32 s2, s31  }
.Ltmp1:
0x15: {  	_ = 	snop;
	(pc) =	sbr.rel @!p0 .LBB2_9-.Ltmp1, $3  }
0x16: {  	_ =	sdelay $0x1  }
0x17: {  	[sflag:s20] =	ssyncset.done $0x0  }
0x18: {  	[sflag:s20] =	ssyncadd.s32 $0xFFFF9C00  }
.LBB2_1:
0x19: {  	[dreg:$0x7] =	wrdreg s2  }
0x1a: {  	s0 =	rddreg [dreg:$0x1];
	s28 =	simm.s32 $0x19000;
	s29 =	simm.s32 $0x5  }
0x1b: {  	[tilespmem:s28], [sflag:$0x5] =	stream.linear.gather [hbm4b:s0+s6], $0x80, $0x38;
	[tilespmem:$0x19080] =	vst v63  }
0x1c: {  	_ =	swait.ge [sflag:s29], $0x80  }
0x1d: {  	[sflag:s29] =	ssyncset.done $0x0  }
0x1e: {  	[sflag:s29] =	ssyncadd.s32 $0xFFFFFF80  }
0x1f: {  	v0 =	vld [tilespmem:$0x19000]  }
0x20: {  	v1 =	vld [tilespmem:$0x19010]  }
0x21: {  	v2 =	vld [tilespmem:$0x19020]  }
0x22: {  	v3 =	vld [tilespmem:$0x19030]  }
0x23: {  	v4 =	vld [tilespmem:$0x19040]  }
0x24: {  	v5 =	vld [tilespmem:$0x19050]  }
0x25: {  	s30 =	rddreg [dreg:$0x4];
	v6 =	vld [tilespmem:$0x19060]  }
0x26: {  	v7 =	vld [tilespmem:$0x19070];
	[tilespmem:s6], [sflag:$0x1] =	stream.linear.gather [hbm4b:s30+s6], $0x6400, $0x38  }
0x27: {  	s22 =	simm.s32 $0x0;
	s31 =	rddreg [dreg:$0x5]  }
0x28: {  	[tilespmem:s14], [sflag:$0x2] =	stream.linear.gather [hbm4b:s31+s6], $0x6400, $0x38;
	[tilespmem:$0x19080] =	vst v63  }
.LBB2_2:
0x29: {  	p0 =	seq.s32 s22, $0x0  }
0x2a: {  	s0 =	simm.s32 @!p0 $0x3  }
0x2b: {  	s7 =	simm.s32 $0x100;
	_ =	swait.ge @!p0 [sflag:s0], $0x6400  }
0x2c: {  	v8 =	vadd.s32 s7, v0;
	[sflag:s0] =	ssyncset.done @!p0 $0x0  }
0x2d: {  	s11 =	simm.s32 $0x0;
	[sflag:s0] =	ssyncadd.s32 @!p0 $0xFFFF9C00  }
0x2e: {  	s8 =	simm.s32 $0x80;
	v9 =	vadd.s32 s11, v0;
	_ =	swait.ge [sflag:s15], $0x6400  }
0x2f: {  	v10 =	vadd.s32 s8, v0;
	[sflag:s15] =	ssyncset.done $0x0  }
0x30: {  	[sflag:s15] =	ssyncadd.s32 $0xFFFF9C00  }
0x31: {  	v8 =	vld.idx.msk [tilespmem:v8+s6+$0x0], $0xffff  }
0x32: {  	v11 =	vadd.s32 s7, v1  }
0x33: {  	v9 =	vld.idx.msk [tilespmem:v9+s6+$0x0], $0xffff  }
0x34: {  	v10 =	vld.idx.msk [tilespmem:v10+s6+$0x0], $0xffff  }
0x35: {  	v13 =	vadd.s32 s8, v1;
	s0 =	simm.s32 $0xC900  }
0x36: {  	v12 =	vadd.s32 s11, v1;
	[tilespmem:s0+$0x0] =	vst v8  }
0x37: {  	s13 =	simm.s32 $0x180;
	v8 =	vld.idx.msk [tilespmem:v11+s6+$0x0], $0xffff  }
0x38: {  	[tilespmem:s0+$0xFFFFFF00] =	vst v9;
	v11 =	vadd.s32 s13, v0  }
0x39: {  	s29 =	simm.s32 $0x280;
	v9 =	vadd.s32 s7, v2;
	[tilespmem:s0+$0xFFFFFF80] =	vst v10  }
0x3a: {  	v18 =	vadd.s32 s29, v0;
	v13 =	vld.idx.msk [tilespmem:v13+s6+$0x0], $0xffff  }
0x3b: {  	s24 =	simm.s32 $0x200;
	v14 =	vadd.s32 s8, v2;
	v12 =	vld.idx.msk [tilespmem:v12+s6+$0x0], $0xffff  }
0x3c: {  	[tilespmem:s0+$0x10] =	vst v8;
	v8 =	vadd.s32 s24, v0  }
0x3d: {  	s28 =	simm.s32 $0x300;
	v10 =	vadd.s32 s11, v2;
	v11 =	vld.idx.msk [tilespmem:v11+s6+$0x0], $0xffff  }
0x3e: {  	v15 =	vadd.s32 s28, v0;
	v9 =	vld.idx.msk [tilespmem:v9+s6+$0x0], $0xffff  }
0x3f: {  	v16 =	vadd.s32 s13, v1;
	v18 =	vld.idx.msk [tilespmem:v18+s6+$0x0], $0xffff;
	[tilespmem:s0+$0xFFFFFF90] =	vst v13  }
0x40: {  	[tilespmem:s0+$0xFFFFFF10] =	vst v12;
	v12 =	vadd.s32 s7, v3;
	v14 =	vld.idx.msk [tilespmem:v14+s6+$0x0], $0xffff  }
0x41: {  	v17 =	vadd.s32 s8, v3;
	v8 =	vld.idx.msk [tilespmem:v8+s6+$0x0], $0xffff  }
0x42: {  	v19 =	vadd.s32 s24, v1;
	v10 =	vld.idx.msk [tilespmem:v10+s6+$0x0], $0xffff;
	[tilespmem:s0+$0x80] =	vst v11  }
0x43: {  	s25 =	simm.s32 $0xCB00;
	v20 =	vadd.s32 s29, v1;
	[tilespmem:s0+$0x20] =	vst v9;
	v9 =	vld.idx.msk [tilespmem:v15+s6+$0x0], $0xffff  }
0x44: {  	[tilespmem:s25+$0xFFFFFF80] =	vst v18;
	v11 =	vadd.s32 s28, v1;
	v15 =	vld.idx.msk [tilespmem:v16+s6+$0x0], $0xffff  }
0x45: {  	[tilespmem:s0+$0xFFFFFFA0] =	vst v14;
	v14 =	vadd.s32 s13, v2;
	v12 =	vld.idx.msk [tilespmem:v12+s6+$0x0], $0xffff  }
0x46: {  	s26 =	simm.s32 $0x380;
	v16 =	vadd.s32 s7, v4;
	v17 =	vld.idx.msk [tilespmem:v17+s6+$0x0], $0xffff;
	[tilespmem:s25+$0xFFFFFF00] =	vst v8  }
0x47: {  	v13 =	vadd.s32 s26, v0;
	[tilespmem:s0+$0xFFFFFF20] =	vst v10;
	v10 =	vld.idx.msk [tilespmem:v19+s6+$0x0], $0xffff  }
0x48: {  	[tilespmem:s25+$0x0] =	vst v9;
	v9 =	vadd.s32 s11, v3;
	v19 =	vld.idx.msk [tilespmem:v20+s6+$0x0], $0xffff  }
0x49: {  	[tilespmem:s0+$0x90] =	vst v15;
	v20 =	vadd.s32 s8, v4;
	v11 =	vld.idx.msk [tilespmem:v11+s6+$0x0], $0xffff  }
0x4a: {  	v15 =	vadd.s32 s28, v2;
	[tilespmem:s0+$0x30] =	vst v12;
	v8 =	vld.idx.msk [tilespmem:v14+s6+$0x0], $0xffff  }
0x4b: {  	v12 =	vld.idx.msk [tilespmem:v16+s6+$0x0], $0xffff;
	v16 =	vadd.s32 s13, v3  }
0x4c: {  	v13 =	vld.idx.msk [tilespmem:v13+s6+$0x0], $0xffff;
	v14 =	vadd.s32 s7, v5;
	[tilespmem:s0+$0xFFFFFFB0] =	vst v17  }
0x4d: {  	v18 =	vadd.s32 s24, v2;
	v9 =	vld.idx.msk [tilespmem:v9+s6+$0x0], $0xffff;
	[tilespmem:s25+$0xFFFFFF10] =	vst v10  }
0x4e: {  	s30 =	simm.s32 $0x400;
	v20 =	vld.idx.msk [tilespmem:v20+s6+$0x0], $0xffff;
	[tilespmem:s25+$0x10] =	vst v11;
	v11 =	vadd.s32 s11, v4  }
0x4f: {  	s31 =	simm.s32 $0x580;
	[tilespmem:s0+$0xA0] =	vst v8;
	v8 =	vadd.s32 s30, v0;
	v15 =	vld.idx.msk [tilespmem:v15+s6+$0x0], $0xffff  }
0x50: {  	v17 =	vadd.s32 s31, v0;
	[tilespmem:s0+$0x40] =	vst v12;
	v10 =	vld.idx.msk [tilespmem:v16+s6+$0x0], $0xffff  }
0x51: {  	v12 =	vadd.s32 s29, v2;
	v14 =	vld.idx.msk [tilespmem:v14+s6+$0x0], $0xffff  }
0x52: {  	v16 =	vadd.s32 s26, v1;
	[tilespmem:s0+$0xFFFFFF30] =	vst v9;
	v9 =	vld.idx.msk [tilespmem:v18+s6+$0x0], $0xffff  }
0x53: {  	[tilespmem:s25+$0xFFFFFF90] =	vst v19;
	v19 =	vadd.s32 s28, v3;
	v11 =	vld.idx.msk [tilespmem:v11+s6+$0x0], $0xffff  }
0x54: {  	[tilespmem:s25+$0x80] =	vst v13;
	v18 =	vadd.s32 s13, v4;
	v21 =	vld.idx.msk [tilespmem:v8+s6+$0x0], $0xffff  }
0x55: {  	v22 =	vadd.s32 s8, v5;
	[tilespmem:s0+$0xFFFFFFC0] =	vst v20;
	v8 =	vld.idx.msk [tilespmem:v17+s6+$0x0], $0xffff  }
0x56: {  	s3 =	simm.s32 $0x500;
	v13 =	vadd.s32 s11, v5;
	v12 =	vld.idx.msk [tilespmem:v12+s6+$0x0], $0xffff;
	[tilespmem:s0+$0xB0] =	vst v10  }
0x57: {  	v16 =	vld.idx.msk [tilespmem:v16+s6+$0x0], $0xffff;
	v10 =	vadd.s32 s3, v0;
	[tilespmem:s25+$0x20] =	vst v15  }
0x58: {  	s12 =	simm.s32 $0x480;
	v17 =	vadd.s32 s29, v3;
	v15 =	vld.idx.msk [tilespmem:v19+s6+$0x0], $0xffff;
	[tilespmem:s0+$0x50] =	vst v14  }
0x59: {  	[tilespmem:s25+$0xFFFFFF20] =	vst v9;
	v9 =	vld.idx.msk [tilespmem:v18+s6+$0x0], $0xffff;
	v18 =	vadd.s32 s12, v0  }
0x5a: {  	s2 =	simm.s32 $0xCD00;
	v20 =	vld.idx.msk [tilespmem:v22+s6+$0x0], $0xffff;
	v19 =	vadd.s32 s30, v1;
	[tilespmem:s0+$0xFFFFFF40] =	vst v11  }
0x5b: {  	v11 =	vadd.s32 s13, v5;
	[tilespmem:s2+$0xFFFFFF00] =	vst v21;
	v13 =	vld.idx.msk [tilespmem:v13+s6+$0x0], $0xffff  }
0x5c: {  	v21 =	vadd.s32 s8, v6;
	v10 =	vld.idx.msk [tilespmem:v10+s6+$0x0], $0xffff;
	[tilespmem:s25+$0xFFFFFFA0] =	vst v12  }
0x5d: {  	v12 =	vadd.s32 s11, v6;
	[tilespmem:s25+$0x90] =	vst v16;
	v17 =	vld.idx.msk [tilespmem:v17+s6+$0x0], $0xffff  }
0x5e: {  	[tilespmem:s25+$0x30] =	vst v15;
	v15 =	vadd.s32 s7, v6;
	v16 =	vld.idx.msk [tilespmem:v18+s6+$0x0], $0xffff  }
0x5f: {  	v14 =	vadd.s32 s24, v3;
	[tilespmem:s0+$0xC0] =	vst v9;
	v18 =	vld.idx.msk [tilespmem:v19+s6+$0x0], $0xffff  }
0x60: {  	[tilespmem:s0+$0xFFFFFFD0] =	vst v20;
	v9 =	vadd.s32 s3, v1;
	v11 =	vld.idx.msk [tilespmem:v11+s6+$0x0], $0xffff  }
0x61: {  	v19 =	vadd.s32 s28, v4;
	v20 =	vld.idx.msk [tilespmem:v21+s6+$0x0], $0xffff;
	[tilespmem:s0+$0xFFFFFF50] =	vst v13  }
0x62: {  	v13 =	vadd.s32 s13, v6;
	v12 =	vld.idx.msk [tilespmem:v12+s6+$0x0], $0xffff  }
0x63: {  	v21 =	vadd.s32 s11, v7;
	[tilespmem:s2+$0x0] =	vst v10;
	v22 =	vld.idx.msk [tilespmem:v15+s6+$0x0], $0xffff  }
0x64: {  	v10 =	vadd.s32 s26, v2;
	[tilespmem:s25+$0xFFFFFFB0] =	vst v17;
	v17 =	vld.idx.msk [tilespmem:v14+s6+$0x0], $0xffff  }
0x65: {  	v23 =	vadd.s32 s12, v1;
	v9 =	vld.idx.msk [tilespmem:v9+s6+$0x0], $0xffff;
	[tilespmem:s2+$0xFFFFFF80] =	vst v16  }
0x66: {  	v19 =	vld.idx.msk [tilespmem:v19+s6+$0x0], $0xffff;
	[tilespmem:s0+$0xD0] =	vst v11;
	v11 =	vadd.s32 s8, v7  }
0x67: {  	v16 =	vadd.s32 s7, v7;
	v13 =	vld.idx.msk [tilespmem:v13+s6+$0x0], $0xffff;
	[tilespmem:s0+$0xFFFFFF60] =	vst v12  }
0x68: {  	[tilespmem:s2+$0xFFFFFF10] =	vst v18;
	v12 =	vld.idx.msk [tilespmem:v21+s6+$0x0], $0xffff;
	v21 =	vadd.s32 s13, v7  }
0x69: {  	v25 =	vadd.s32 s3, v2;
	[tilespmem:s0+$0xFFFFFFE0] =	vst v20;
	v24 =	vld.idx.msk [tilespmem:v10+s6+$0x0], $0xffff  }
0x6a: {  	v14 =	vadd.s32 s28, v5;
	v18 =	vld.idx.msk [tilespmem:v23+s6+$0x0], $0xffff;
	[tilespmem:s0+$0x60] =	vst v22  }
0x6b: {  	v23 =	vadd.s32 s26, v3;
	[tilespmem:s2+$0x10] =	vst v9;
	v15 =	vld.idx.msk [tilespmem:v11+s6+$0x0], $0xffff  }
0x6c: {  	v22 =	vadd.s32 s30, v2;
	v16 =	vld.idx.msk [tilespmem:v16+s6+$0x0], $0xffff;
	[tilespmem:s0+$0xE0] =	vst v13  }
0x6d: {  	v10 =	vadd.s32 s29, v4;
	[tilespmem:s25+$0x40] =	vst v19;
	v20 =	vld.idx.msk [tilespmem:v21+s6+$0x0], $0xffff;
	v21 =	vadd.s32 s24, v4  }
0x6e: {  	s23 =	sshll.u32 s22, $0x6;
	s7 =	simm.s32 $0x8;
	s8 =	simm.s32 $0x600;
	v9 =	vadd.s32 s12, v4;
	v19 =	vadd.s32 s12, v2;
	v11 =	vadd.s32 s31, v1;
	v13 =	vld.idx.msk [tilespmem:v25+s6+$0x0], $0xffff;
	[tilespmem:s25+$0xA0] =	vst v24  }
.LBB2_3:
0x6f: {  	v24 =	vadd.s32 s8, v0;
	s13 =	sadd.s32 $0x80, s8;
	s7 =	sadd.s32 $0x4, s7;
	[tilespmem:s25+$0xFFFFFF30] =	vst v17;
	v14 =	vld.idx.msk [tilespmem:v14+s6+$0x0], $0xffff  }
0x70: {  	s19 =	sadd.s32 $0x100, s8;
	v17 =	vadd.s32 s13, v0;
	v25 =	vadd.s32 s13, v4;
	p0 =	slt.u32 s7, $0xC4;
	v23 =	vld.idx.msk [tilespmem:v23+s6+$0x0], $0xffff;
	[tilespmem:s0+$0xFFFFFFF0] =	vst v15  }
0x71: {  	s11 =	sadd.s32 $0x180, s8;
	v15 =	vadd.s32 s19, v0;
	v22 =	vld.idx.msk [tilespmem:v22+s6+$0x0], $0xffff;
	[tilespmem:s0+$0x70] =	vst v16  }
0x72: {  	v16 =	vadd.s32 s11, v0;
	[tilespmem:s2+$0xFFFFFF90] =	vst v18;
	v18 =	vld.idx.msk [tilespmem:v21+s6+$0x0], $0xffff;
	v21 =	vadd.s32 s26, v4  }
0x73: {  	v19 =	vld.idx.msk [tilespmem:v19+s6+$0x0], $0xffff;
	[tilespmem:s0+$0xF0] =	vst v20  }
0x74: {  	v20 =	vadd.s32 s3, v3;
	v26 =	vld.idx.msk [tilespmem:v10+s6+$0x0], $0xffff;
	[tilespmem:s0+$0xFFFFFF70] =	vst v12;
	v10 =	vmov v9;
	v9 =	vmov v25;
	s0 =	smov.u32 s25;
	s25 =	smov.u32 s2  }
0x75: {  	v12 =	vld.idx.msk [tilespmem:v24+s6+$0x0], $0xffff;
	[tilespmem:s2+$0x80] =	vst v8;
	v24 =	vadd.s32 s24, v5  }
0x76: {  	v28 =	vadd.s32 s29, v5;
	v25 =	vadd.s32 s8, v1;
	v27 =	vld.idx.msk [tilespmem:v11+s6+$0x0], $0xffff;
	[tilespmem:s0+$0xB0] =	vst v23  }
0x77: {  	v29 =	vadd.s32 s13, v1;
	[tilespmem:s2+$0xFFFFFF20] =	vst v22;
	v21 =	vld.idx.msk [tilespmem:v21+s6+$0x0], $0xffff  }
0x78: {  	v22 =	vadd.s32 s19, v1;
	v8 =	vld.idx.msk [tilespmem:v16+s6+$0x0], $0xffff;
	v16 =	vadd.s32 s12, v3;
	[tilespmem:s2+$0x20] =	vst v13  }
0x79: {  	v11 =	vadd.s32 s11, v1;
	s2 =	sadd.s32 $0x200, s2;
	v13 =	vld.idx.msk [tilespmem:v20+s6+$0x0], $0xffff;
	[tilespmem:s0+$0xFFFFFF40] =	vst v18;
	v18 =	vadd.s32 s26, v5  }
0x7a: {  	v20 =	vld.idx.msk [tilespmem:v24+s6+$0x0], $0xffff;
	[tilespmem:s0+$0xFFFFFFC0] =	vst v26  }
0x7b: {  	[tilespmem:s2+$0xFFFFFF00] =	vst v12;
	v12 =	vld.idx.msk [tilespmem:v28+s6+$0x0], $0xffff  }
0x7c: {  	v15 =	vld.idx.msk [tilespmem:v15+s6+$0x0], $0xffff;
	[tilespmem:s25+$0xFFFFFFA0] =	vst v19;
	v19 =	vadd.s32 s24, v6  }
0x7d: {  	v23 =	vadd.s32 s29, v6;
	v16 =	vld.idx.msk [tilespmem:v16+s6+$0x0], $0xffff;
	[tilespmem:s0+$0xC0] =	vst v21  }
0x7e: {  	[tilespmem:s25+$0x90] =	vst v27;
	v18 =	vld.idx.msk [tilespmem:v18+s6+$0x0], $0xffff  }
0x7f: {  	v17 =	vld.idx.msk [tilespmem:v17+s6+$0x0], $0xffff;
	[tilespmem:s25+$0x30] =	vst v13;
	v13 =	vadd.s32 s28, v6  }
0x80: {  	v21 =	vld.idx.msk [tilespmem:v25+s6+$0x0], $0xffff;
	[tilespmem:s0+$0xFFFFFF50] =	vst v20;
	v20 =	vadd.s32 s26, v6  }
0x81: {  	v24 =	vadd.s32 s3, v4;
	v19 =	vld.idx.msk [tilespmem:v19+s6+$0x0], $0xffff;
	[tilespmem:s0+$0xFFFFFFD0] =	vst v12  }
0x82: {  	v12 =	vadd.s32 s31, v2;
	[tilespmem:s2+$0x0] =	vst v15;
	v15 =	vld.idx.msk [tilespmem:v23+s6+$0x0], $0xffff  }
0x83: {  	v25 =	vld.idx.msk [tilespmem:v22+s6+$0x0], $0xffff;
	v22 =	vadd.s32 s24, v7;
	[tilespmem:s0+$0x50] =	vst v14;
	s24 =	smov.u32 s30;
	s30 =	smov.u32 s8  }
0x84: {  	v14 =	vadd.s32 s24, v3;
	v13 =	vld.idx.msk [tilespmem:v13+s6+$0x0], $0xffff;
	[tilespmem:s0+$0xD0] =	vst v18  }
0x85: {  	[tilespmem:s25+$0xFFFFFFB0] =	vst v16;
	v16 =	vadd.s32 s29, v7;
	v18 =	vld.idx.msk [tilespmem:v20+s6+$0x0], $0xffff;
	s29 =	smov.u32 s12;
	s12 =	smov.u32 s13  }
0x86: {  	[tilespmem:s2+$0xFFFFFF80] =	vst v17;
	v20 =	vld.idx.msk [tilespmem:v24+s6+$0x0], $0xffff;
	v24 =	vadd.s32 s28, v7;
	s28 =	smov.u32 s3;
	s3 =	smov.u32 s19  }
0x87: {  	v26 =	vld.idx.msk [tilespmem:v12+s6+$0x0], $0xffff;
	[tilespmem:s0+$0xFFFFFF60] =	vst v19  }
0x88: {  	v19 =	vadd.s32 s26, v7;
	s26 =	smov.u32 s31;
	s31 =	smov.u32 s11;
	[tilespmem:s2+$0xFFFFFF10] =	vst v21;
	v12 =	vld.idx.msk [tilespmem:v22+s6+$0x0], $0xffff  }
0x89: {  	v27 =	vadd.s32 s3, v2;
	v17 =	vld.idx.msk [tilespmem:v14+s6+$0x0], $0xffff;
	[tilespmem:s0+$0xFFFFFFE0] =	vst v15  }
.Ltmp2:
0x8a: {  	v14 =	vadd.s32 s28, v5;
	v15 =	vld.idx.msk [tilespmem:v16+s6+$0x0], $0xffff;
	[tilespmem:s0+$0x60] =	vst v13;
	(pc) =	sbr.rel @p0 .LBB2_3-.Ltmp2, $4  }
0x8b: {  	v23 =	vadd.s32 s26, v3;
	v16 =	vld.idx.msk [tilespmem:v24+s6+$0x0], $0xffff;
	[tilespmem:s0+$0xE0] =	vst v18  }
0x8c: {  	v22 =	vadd.s32 s8, v2;
	v18 =	vld.idx.msk [tilespmem:v29+s6+$0x0], $0xffff;
	[tilespmem:s2+$0x10] =	vst v25  }
0x8d: {  	v21 =	vadd.s32 s24, v4;
	[tilespmem:s25+$0x40] =	vst v20;
	v20 =	vld.idx.msk [tilespmem:v19+s6+$0x0], $0xffff  }
0x8e: {  	s8 =	sadd.s32 $0x200, s8;
	v19 =	vadd.s32 s12, v2;
	v13 =	vld.idx.msk [tilespmem:v27+s6+$0x0], $0xffff;
	[tilespmem:s25+$0xA0] =	vst v26  }
0x8f: {  	_ = 	snop  }
0x90: {  	[tilespmem:s25+$0xFFFFFF30] =	vst v17  }
0x91: {  	[tilespmem:s0+$0xFFFFFFF0] =	vst v15  }
0x92: {  	[tilespmem:s2+$0x80] =	vst v8  }
0x93: {  	v15 =	vld.idx.msk [tilespmem:v23+s6+$0x0], $0xffff;
	[tilespmem:s0+$0xFFFFFF70] =	vst v12  }
0x94: {  	v8 =	vadd.s32 s3, v3;
	[tilespmem:s0+$0x70] =	vst v16;
	v16 =	vld.idx.msk [tilespmem:v22+s6+$0x0], $0xffff  }
0x95: {  	v17 =	vadd.s32 s26, v4;
	v11 =	vld.idx.msk [tilespmem:v11+s6+$0x0], $0xffff;
	[tilespmem:s2+$0xFFFFFF90] =	vst v18  }
0x96: {  	v12 =	vadd.s32 s31, v2;
	v10 =	vld.idx.msk [tilespmem:v10+s6+$0x0], $0xffff;
	[tilespmem:s0+$0xF0] =	vst v20  }
0x97: {  	v18 =	vld.idx.msk [tilespmem:v21+s6+$0x0], $0xffff;
	[tilespmem:s2+$0x20] =	vst v13  }
0x98: {  	v20 =	vadd.s32 s24, v5;
	[tilespmem:s25+$0xB0] =	vst v15;
	v15 =	vld.idx.msk [tilespmem:v19+s6+$0x0], $0xffff  }
0x99: {  	v19 =	vadd.s32 s29, v5;
	v8 =	vld.idx.msk [tilespmem:v8+s6+$0x0], $0xffff;
	[tilespmem:s2+$0xFFFFFF20] =	vst v16  }
0x9a: {  	v13 =	vadd.s32 s12, v3;
	v16 =	vld.idx.msk [tilespmem:v17+s6+$0x0], $0xffff;
	[tilespmem:s2+$0x90] =	vst v11  }
0x9b: {  	[tilespmem:s25+$0xFFFFFFC0] =	vst v10;
	v11 =	vadd.s32 s26, v5;
	v12 =	vld.idx.msk [tilespmem:v12+s6+$0x0], $0xffff  }
0x9c: {  	v14 =	vld.idx.msk [tilespmem:v14+s6+$0x0], $0xffff;
	v10 =	vadd.s32 s31, v3;
	[tilespmem:s25+$0xFFFFFF40] =	vst v18  }
0x9d: {  	v17 =	vld.idx.msk [tilespmem:v20+s6+$0x0], $0xffff;
	[tilespmem:s2+$0xFFFFFFA0] =	vst v15;
	v15 =	vadd.s32 s30, v3  }
0x9e: {  	v18 =	vld.idx.msk [tilespmem:v19+s6+$0x0], $0xffff;
	v19 =	vadd.s32 s24, v6;
	[tilespmem:s2+$0x30] =	vst v8  }
0x9f: {  	[tilespmem:s25+$0xC0] =	vst v16;
	v13 =	vld.idx.msk [tilespmem:v13+s6+$0x0], $0xffff;
	v16 =	vadd.s32 s29, v6  }
0xa0: {  	v8 =	vld.idx.msk [tilespmem:v11+s6+$0x0], $0xffff;
	[tilespmem:s2+$0xA0] =	vst v12  }
0xa1: {  	[tilespmem:s25+$0x50] =	vst v14;
	v11 =	vadd.s32 s3, v4;
	v10 =	vld.idx.msk [tilespmem:v10+s6+$0x0], $0xffff  }
0xa2: {  	[tilespmem:s25+$0xFFFFFF50] =	vst v17;
	v12 =	vld.idx.msk [tilespmem:v15+s6+$0x0], $0xffff;
	v15 =	vadd.s32 s31, v4  }
0xa3: {  	v14 =	vadd.s32 s30, v4;
	[tilespmem:s25+$0xFFFFFFD0] =	vst v18;
	v17 =	vld.idx.msk [tilespmem:v19+s6+$0x0], $0xffff  }
0xa4: {  	v18 =	vadd.s32 s28, v6;
	v16 =	vld.idx.msk [tilespmem:v16+s6+$0x0], $0xffff;
	[tilespmem:s2+$0xFFFFFFB0] =	vst v13  }
0xa5: {  	v13 =	vadd.s32 s26, v6;
	[tilespmem:s25+$0xD0] =	vst v8;
	v8 =	vld.idx.msk [tilespmem:v9+s6+$0x0], $0xffff  }
0xa6: {  	v9 =	vld.idx.msk [tilespmem:v11+s6+$0x0], $0xffff;
	v11 =	vadd.s32 s12, v5;
	[tilespmem:s2+$0xB0] =	vst v10  }
0xa7: {  	v10 =	vadd.s32 s3, v5;
	[tilespmem:s2+$0xFFFFFF30] =	vst v12;
	v12 =	vld.idx.msk [tilespmem:v15+s6+$0x0], $0xffff  }
0xa8: {  	[tilespmem:s25+$0xFFFFFF60] =	vst v17;
	v15 =	vadd.s32 s31, v5;
	v14 =	vld.idx.msk [tilespmem:v14+s6+$0x0], $0xffff  }
0xa9: {  	v17 =	vld.idx.msk [tilespmem:v18+s6+$0x0], $0xffff;
	[tilespmem:s25+$0xFFFFFFE0] =	vst v16;
	v16 =	vadd.s32 s30, v5  }
0xaa: {  	v18 =	vadd.s32 s29, v7;
	v13 =	vld.idx.msk [tilespmem:v13+s6+$0x0], $0xffff;
	[tilespmem:s2+$0xFFFFFFC0] =	vst v8  }
0xab: {  	v8 =	vadd.s32 s28, v7;
	[tilespmem:s2+$0x40] =	vst v9;
	v9 =	vld.idx.msk [tilespmem:v11+s6+$0x0], $0xffff  }
0xac: {  	v10 =	vld.idx.msk [tilespmem:v10+s6+$0x0], $0xffff;
	v11 =	vadd.s32 s12, v6;
	[tilespmem:s2+$0xC0] =	vst v12  }
0xad: {  	[tilespmem:s2+$0xFFFFFF40] =	vst v14;
	v12 =	vld.idx.msk [tilespmem:v15+s6+$0x0], $0xffff;
	v14 =	vadd.s32 s3, v6  }
0xae: {  	[tilespmem:s25+$0x60] =	vst v17;
	v15 =	vld.idx.msk [tilespmem:v16+s6+$0x0], $0xffff;
	v16 =	vadd.s32 s31, v6  }
0xaf: {  	v17 =	vld.idx.msk [tilespmem:v18+s6+$0x0], $0xffff;
	[tilespmem:s25+$0xE0] =	vst v13;
	v13 =	vadd.s32 s30, v6  }
0xb0: {  	v18 =	vadd.s32 s26, v7;
	v8 =	vld.idx.msk [tilespmem:v8+s6+$0x0], $0xffff;
	[tilespmem:s2+$0xFFFFFFD0] =	vst v9  }
0xb1: {  	v9 =	vadd.s32 s24, v7;
	[tilespmem:s2+$0x50] =	vst v10;
	v11 =	vld.idx.msk [tilespmem:v11+s6+$0x0], $0xffff  }
0xb2: {  	v10 =	vld.idx.msk [tilespmem:v14+s6+$0x0], $0xffff;
	[tilespmem:s2+$0xD0] =	vst v12;
	v12 =	vadd.s32 s12, v7  }
0xb3: {  	[tilespmem:s2+$0xFFFFFF50] =	vst v15;
	v14 =	vld.idx.msk [tilespmem:v16+s6+$0x0], $0xffff;
	v15 =	vadd.s32 s3, v7  }
0xb4: {  	[tilespmem:s25+$0xFFFFFFF0] =	vst v17;
	v16 =	vadd.s32 s31, v7;
	v13 =	vld.idx.msk [tilespmem:v13+s6+$0x0], $0xffff  }
0xb5: {  	v17 =	vld.idx.msk [tilespmem:v18+s6+$0x0], $0xffff;
	[tilespmem:s25+$0x70] =	vst v8;
	v8 =	vadd.s32 s30, v7  }
0xb6: {  	v9 =	vld.idx.msk [tilespmem:v9+s6+$0x0], $0xffff;
	[tilespmem:s2+$0xFFFFFFE0] =	vst v11  }
0xb7: {  	v11 =	vld.idx.msk [tilespmem:v12+s6+$0x0], $0xffff;
	[tilespmem:s2+$0x60] =	vst v10  }
0xb8: {  	v10 =	vld.idx.msk [tilespmem:v15+s6+$0x0], $0xffff;
	[tilespmem:s2+$0xE0] =	vst v14  }
0xb9: {  	[tilespmem:s2+$0xFFFFFF60] =	vst v13;
	v12 =	vld.idx.msk [tilespmem:v16+s6+$0x0], $0xffff  }
0xba: {  	[tilespmem:s25+$0xF0] =	vst v17;
	v8 =	vld.idx.msk [tilespmem:v8+s6+$0x0], $0xffff  }
0xbb: {  	[tilespmem:s25+$0xFFFFFF70] =	vst v9  }
0xbc: {  	s24 =	sor.u32 s5, s23;
	[tilespmem:s2+$0xFFFFFFF0] =	vst v11  }
0xbd: {  	p0 =	seq.s32 s22, $0x3F;
	s26 =	smul.u32 $0xC80, s24;
	[tilespmem:s2+$0x70] =	vst v10  }
0xbe: {  	s3 =	sadd.s32 @!p0 s9, s23;
	[tilespmem:s2+$0xF0] =	vst v12  }
0xbf: {  	p1 =	seq.s32 @!p0 s22, $0x0;
	s0 =	sadd.s32 s4, s26;
	[tilespmem:s2+$0xFFFFFF70] =	vst v8;
	s2 =	smul.u32 @!p0 $0xC80, s3  }
0xc0: {  	[hbm4b:s0+s6] =	stream.linear.scatter [tilespmem:s16], [sflag:$0x3], $0x6400, $0x38;
	[tilespmem:$0x19080] =	vst v63  }
0xc1: {  	p1 =	por p0, !p1;
	s0 =	sadd.s32 @!p0 s1, s2;
	s2 =	simm.s32 @!p0 $0x0  }
0xc2: {  	[tilespmem:s2], [sflag:$0x1] =	stream.linear.gather @!p0 [hbm4b:s0+s2], $0x6400, $0x38;
	[tilespmem:$0x19080] =	vst v63  }
0xc3: {  	s8 =	simm.s32 $0x100;
	_ =	swait.ge @p1 [sflag:s20], $0x6400  }
0xc4: {  	v8 =	vadd.s32 s8, v0;
	[sflag:s20] =	ssyncset.done @p1 $0x0  }
0xc5: {  	s13 =	simm.s32 $0x0;
	[sflag:s20] =	ssyncadd.s32 @p1 $0xFFFF9C00  }
0xc6: {  	s11 =	simm.s32 $0x80;
	v9 =	vadd.s32 s13, v0;
	_ =	swait.ge [sflag:s17], $0x6400  }
0xc7: {  	v10 =	vadd.s32 s11, v0;
	[sflag:s17] =	ssyncset.done $0x0  }
0xc8: {  	[sflag:s17] =	ssyncadd.s32 $0xFFFF9C00  }
0xc9: {  	v8 =	vld.idx.msk [tilespmem:v8+s14+$0x0], $0xffff  }
0xca: {  	v11 =	vadd.s32 s8, v1  }
0xcb: {  	v9 =	vld.idx.msk [tilespmem:v9+s14+$0x0], $0xffff  }
0xcc: {  	v10 =	vld.idx.msk [tilespmem:v10+s14+$0x0], $0xffff  }
0xcd: {  	v13 =	vadd.s32 s11, v1;
	s3 =	simm.s32 $0x12D00  }
0xce: {  	v12 =	vadd.s32 s13, v1;
	[tilespmem:s3+$0x0] =	vst v8  }
0xcf: {  	s19 =	simm.s32 $0x180;
	v8 =	vld.idx.msk [tilespmem:v11+s14+$0x0], $0xffff  }
0xd0: {  	[tilespmem:s3+$0xFFFFFF00] =	vst v9;
	v11 =	vadd.s32 s19, v0  }
0xd1: {  	s30 =	simm.s32 $0x280;
	v9 =	vadd.s32 s8, v2;
	[tilespmem:s3+$0xFFFFFF80] =	vst v10  }
0xd2: {  	v18 =	vadd.s32 s30, v0;
	v13 =	vld.idx.msk [tilespmem:v13+s14+$0x0], $0xffff  }
0xd3: {  	v14 =	vadd.s32 s11, v2;
	s25 =	simm.s32 $0x200;
	v12 =	vld.idx.msk [tilespmem:v12+s14+$0x0], $0xffff  }
0xd4: {  	[tilespmem:s3+$0x10] =	vst v8;
	v8 =	vadd.s32 s25, v0  }
0xd5: {  	s29 =	simm.s32 $0x300;
	v10 =	vadd.s32 s13, v2;
	v11 =	vld.idx.msk [tilespmem:v11+s14+$0x0], $0xffff  }
0xd6: {  	v15 =	vadd.s32 s29, v0;
	v9 =	vld.idx.msk [tilespmem:v9+s14+$0x0], $0xffff  }
0xd7: {  	v16 =	vadd.s32 s19, v1;
	v18 =	vld.idx.msk [tilespmem:v18+s14+$0x0], $0xffff;
	[tilespmem:s3+$0xFFFFFF90] =	vst v13  }
0xd8: {  	[tilespmem:s3+$0xFFFFFF10] =	vst v12;
	v12 =	vadd.s32 s8, v3;
	v14 =	vld.idx.msk [tilespmem:v14+s14+$0x0], $0xffff  }
0xd9: {  	v17 =	vadd.s32 s11, v3;
	v8 =	vld.idx.msk [tilespmem:v8+s14+$0x0], $0xffff  }
0xda: {  	v19 =	vadd.s32 s25, v1;
	v10 =	vld.idx.msk [tilespmem:v10+s14+$0x0], $0xffff;
	[tilespmem:s3+$0x80] =	vst v11  }
0xdb: {  	s26 =	simm.s32 $0x12F00;
	v20 =	vadd.s32 s30, v1;
	[tilespmem:s3+$0x20] =	vst v9;
	v9 =	vld.idx.msk [tilespmem:v15+s14+$0x0], $0xffff  }
0xdc: {  	[tilespmem:s26+$0xFFFFFF80] =	vst v18;
	v11 =	vadd.s32 s29, v1;
	v15 =	vld.idx.msk [tilespmem:v16+s14+$0x0], $0xffff  }
0xdd: {  	[tilespmem:s3+$0xFFFFFFA0] =	vst v14;
	v14 =	vadd.s32 s19, v2;
	v12 =	vld.idx.msk [tilespmem:v12+s14+$0x0], $0xffff  }
0xde: {  	s28 =	simm.s32 $0x380;
	v16 =	vadd.s32 s8, v4;
	v17 =	vld.idx.msk [tilespmem:v17+s14+$0x0], $0xffff;
	[tilespmem:s26+$0xFFFFFF00] =	vst v8  }
0xdf: {  	v13 =	vadd.s32 s28, v0;
	[tilespmem:s3+$0xFFFFFF20] =	vst v10;
	v10 =	vld.idx.msk [tilespmem:v19+s14+$0x0], $0xffff  }
0xe0: {  	[tilespmem:s26+$0x0] =	vst v9;
	v9 =	vadd.s32 s13, v3;
	v19 =	vld.idx.msk [tilespmem:v20+s14+$0x0], $0xffff  }
0xe1: {  	[tilespmem:s3+$0x90] =	vst v15;
	v20 =	vadd.s32 s11, v4;
	v11 =	vld.idx.msk [tilespmem:v11+s14+$0x0], $0xffff  }
0xe2: {  	v15 =	vadd.s32 s29, v2;
	[tilespmem:s3+$0x30] =	vst v12;
	v8 =	vld.idx.msk [tilespmem:v14+s14+$0x0], $0xffff  }
0xe3: {  	v12 =	vld.idx.msk [tilespmem:v16+s14+$0x0], $0xffff;
	v16 =	vadd.s32 s19, v3  }
0xe4: {  	v13 =	vld.idx.msk [tilespmem:v13+s14+$0x0], $0xffff;
	v14 =	vadd.s32 s8, v5;
	[tilespmem:s3+$0xFFFFFFB0] =	vst v17  }
0xe5: {  	v18 =	vadd.s32 s25, v2;
	v9 =	vld.idx.msk [tilespmem:v9+s14+$0x0], $0xffff;
	[tilespmem:s26+$0xFFFFFF10] =	vst v10  }
0xe6: {  	s31 =	simm.s32 $0x400;
	v20 =	vld.idx.msk [tilespmem:v20+s14+$0x0], $0xffff;
	[tilespmem:s26+$0x10] =	vst v11;
	v11 =	vadd.s32 s13, v4  }
0xe7: {  	s2 =	simm.s32 $0x580;
	[tilespmem:s3+$0xA0] =	vst v8;
	v8 =	vadd.s32 s31, v0;
	v15 =	vld.idx.msk [tilespmem:v15+s14+$0x0], $0xffff  }
0xe8: {  	v17 =	vadd.s32 s2, v0;
	[tilespmem:s3+$0x40] =	vst v12;
	v10 =	vld.idx.msk [tilespmem:v16+s14+$0x0], $0xffff  }
0xe9: {  	v12 =	vadd.s32 s30, v2;
	v14 =	vld.idx.msk [tilespmem:v14+s14+$0x0], $0xffff  }
0xea: {  	v16 =	vadd.s32 s28, v1;
	[tilespmem:s3+$0xFFFFFF30] =	vst v9;
	v9 =	vld.idx.msk [tilespmem:v18+s14+$0x0], $0xffff  }
0xeb: {  	[tilespmem:s26+$0xFFFFFF90] =	vst v19;
	v19 =	vadd.s32 s29, v3;
	v11 =	vld.idx.msk [tilespmem:v11+s14+$0x0], $0xffff  }
0xec: {  	[tilespmem:s26+$0x80] =	vst v13;
	v18 =	vadd.s32 s19, v4;
	v21 =	vld.idx.msk [tilespmem:v8+s14+$0x0], $0xffff  }
0xed: {  	v22 =	vadd.s32 s11, v5;
	[tilespmem:s3+$0xFFFFFFC0] =	vst v20;
	v8 =	vld.idx.msk [tilespmem:v17+s14+$0x0], $0xffff  }
0xee: {  	s12 =	simm.s32 $0x500;
	v13 =	vadd.s32 s13, v5;
	v12 =	vld.idx.msk [tilespmem:v12+s14+$0x0], $0xffff;
	[tilespmem:s3+$0xB0] =	vst v10  }
0xef: {  	v16 =	vld.idx.msk [tilespmem:v16+s14+$0x0], $0xffff;
	v10 =	vadd.s32 s12, v0;
	[tilespmem:s26+$0x20] =	vst v15  }
0xf0: {  	s7 =	simm.s32 $0x480;
	v17 =	vadd.s32 s30, v3;
	v15 =	vld.idx.msk [tilespmem:v19+s14+$0x0], $0xffff;
	[tilespmem:s3+$0x50] =	vst v14  }
0xf1: {  	[tilespmem:s26+$0xFFFFFF20] =	vst v9;
	v9 =	vld.idx.msk [tilespmem:v18+s14+$0x0], $0xffff;
	v18 =	vadd.s32 s7, v0  }
0xf2: {  	s0 =	simm.s32 $0x13100;
	v20 =	vld.idx.msk [tilespmem:v22+s14+$0x0], $0xffff;
	v19 =	vadd.s32 s31, v1;
	[tilespmem:s3+$0xFFFFFF40] =	vst v11  }
0xf3: {  	v11 =	vadd.s32 s19, v5;
	[tilespmem:s0+$0xFFFFFF00] =	vst v21;
	v13 =	vld.idx.msk [tilespmem:v13+s14+$0x0], $0xffff  }
0xf4: {  	v21 =	vadd.s32 s11, v6;
	v10 =	vld.idx.msk [tilespmem:v10+s14+$0x0], $0xffff;
	[tilespmem:s26+$0xFFFFFFA0] =	vst v12  }
0xf5: {  	v12 =	vadd.s32 s13, v6;
	[tilespmem:s26+$0x90] =	vst v16;
	v17 =	vld.idx.msk [tilespmem:v17+s14+$0x0], $0xffff  }
0xf6: {  	[tilespmem:s26+$0x30] =	vst v15;
	v15 =	vadd.s32 s8, v6;
	v16 =	vld.idx.msk [tilespmem:v18+s14+$0x0], $0xffff  }
0xf7: {  	v14 =	vadd.s32 s25, v3;
	[tilespmem:s3+$0xC0] =	vst v9;
	v18 =	vld.idx.msk [tilespmem:v19+s14+$0x0], $0xffff  }
0xf8: {  	[tilespmem:s3+$0xFFFFFFD0] =	vst v20;
	v9 =	vadd.s32 s12, v1;
	v11 =	vld.idx.msk [tilespmem:v11+s14+$0x0], $0xffff  }
0xf9: {  	v19 =	vadd.s32 s29, v4;
	v20 =	vld.idx.msk [tilespmem:v21+s14+$0x0], $0xffff;
	[tilespmem:s3+$0xFFFFFF50] =	vst v13  }
0xfa: {  	v13 =	vadd.s32 s19, v6;
	v12 =	vld.idx.msk [tilespmem:v12+s14+$0x0], $0xffff  }
0xfb: {  	v21 =	vadd.s32 s13, v7;
	[tilespmem:s0+$0x0] =	vst v10;
	v22 =	vld.idx.msk [tilespmem:v15+s14+$0x0], $0xffff  }
0xfc: {  	v10 =	vadd.s32 s28, v2;
	[tilespmem:s26+$0xFFFFFFB0] =	vst v17;
	v17 =	vld.idx.msk [tilespmem:v14+s14+$0x0], $0xffff  }
0xfd: {  	v23 =	vadd.s32 s7, v1;
	v9 =	vld.idx.msk [tilespmem:v9+s14+$0x0], $0xffff;
	[tilespmem:s0+$0xFFFFFF80] =	vst v16  }
0xfe: {  	v19 =	vld.idx.msk [tilespmem:v19+s14+$0x0], $0xffff;
	[tilespmem:s3+$0xD0] =	vst v11;
	v11 =	vadd.s32 s11, v7  }
0xff: {  	v16 =	vadd.s32 s8, v7;
	v13 =	vld.idx.msk [tilespmem:v13+s14+$0x0], $0xffff;
	[tilespmem:s3+$0xFFFFFF60] =	vst v12  }
0x100: {  	[tilespmem:s0+$0xFFFFFF10] =	vst v18;
	v12 =	vld.idx.msk [tilespmem:v21+s14+$0x0], $0xffff;
	v21 =	vadd.s32 s19, v7  }
0x101: {  	v25 =	vadd.s32 s12, v2;
	[tilespmem:s3+$0xFFFFFFE0] =	vst v20;
	v24 =	vld.idx.msk [tilespmem:v10+s14+$0x0], $0xffff  }
0x102: {  	v14 =	vadd.s32 s29, v5;
	v18 =	vld.idx.msk [tilespmem:v23+s14+$0x0], $0xffff;
	[tilespmem:s3+$0x60] =	vst v22  }
0x103: {  	v23 =	vadd.s32 s28, v3;
	[tilespmem:s0+$0x10] =	vst v9;
	v15 =	vld.idx.msk [tilespmem:v11+s14+$0x0], $0xffff  }
0x104: {  	v22 =	vadd.s32 s31, v2;
	v16 =	vld.idx.msk [tilespmem:v16+s14+$0x0], $0xffff;
	[tilespmem:s3+$0xE0] =	vst v13  }
0x105: {  	v10 =	vadd.s32 s30, v4;
	[tilespmem:s26+$0x40] =	vst v19;
	v20 =	vld.idx.msk [tilespmem:v21+s14+$0x0], $0xffff;
	v21 =	vadd.s32 s25, v4  }
0x106: {  	s8 =	simm.s32 $0x8;
	s11 =	simm.s32 $0x600;
	v9 =	vadd.s32 s7, v4;
	v19 =	vadd.s32 s7, v2;
	v11 =	vadd.s32 s2, v1;
	v13 =	vld.idx.msk [tilespmem:v25+s14+$0x0], $0xffff;
	[tilespmem:s26+$0xA0] =	vst v24  }
.LBB2_5:
0x107: {  	v24 =	vadd.s32 s11, v0;
	s19 =	sadd.s32 $0x80, s11;
	s8 =	sadd.s32 $0x4, s8;
	[tilespmem:s26+$0xFFFFFF30] =	vst v17;
	v14 =	vld.idx.msk [tilespmem:v14+s14+$0x0], $0xffff  }
0x108: {  	s21 =	sadd.s32 $0x100, s11;
	v17 =	vadd.s32 s19, v0;
	v25 =	vadd.s32 s19, v4;
	p1 =	slt.u32 s8, $0xC4;
	v23 =	vld.idx.msk [tilespmem:v23+s14+$0x0], $0xffff;
	[tilespmem:s3+$0xFFFFFFF0] =	vst v15  }
0x109: {  	s13 =	sadd.s32 $0x180, s11;
	v15 =	vadd.s32 s21, v0;
	v22 =	vld.idx.msk [tilespmem:v22+s14+$0x0], $0xffff;
	[tilespmem:s3+$0x70] =	vst v16  }
0x10a: {  	v16 =	vadd.s32 s13, v0;
	[tilespmem:s0+$0xFFFFFF90] =	vst v18;
	v18 =	vld.idx.msk [tilespmem:v21+s14+$0x0], $0xffff;
	v21 =	vadd.s32 s28, v4  }
0x10b: {  	v19 =	vld.idx.msk [tilespmem:v19+s14+$0x0], $0xffff;
	[tilespmem:s3+$0xF0] =	vst v20  }
0x10c: {  	v20 =	vadd.s32 s12, v3;
	v26 =	vld.idx.msk [tilespmem:v10+s14+$0x0], $0xffff;
	[tilespmem:s3+$0xFFFFFF70] =	vst v12;
	v10 =	vmov v9;
	v9 =	vmov v25;
	s3 =	smov.u32 s26;
	s26 =	smov.u32 s0  }
0x10d: {  	v12 =	vld.idx.msk [tilespmem:v24+s14+$0x0], $0xffff;
	[tilespmem:s0+$0x80] =	vst v8;
	v24 =	vadd.s32 s25, v5  }
0x10e: {  	v28 =	vadd.s32 s30, v5;
	v25 =	vadd.s32 s11, v1;
	v27 =	vld.idx.msk [tilespmem:v11+s14+$0x0], $0xffff;
	[tilespmem:s3+$0xB0] =	vst v23  }
0x10f: {  	v29 =	vadd.s32 s19, v1;
	[tilespmem:s0+$0xFFFFFF20] =	vst v22;
	v21 =	vld.idx.msk [tilespmem:v21+s14+$0x0], $0xffff  }
0x110: {  	v22 =	vadd.s32 s21, v1;
	v8 =	vld.idx.msk [tilespmem:v16+s14+$0x0], $0xffff;
	v16 =	vadd.s32 s7, v3;
	[tilespmem:s0+$0x20] =	vst v13  }
0x111: {  	v11 =	vadd.s32 s13, v1;
	s0 =	sadd.s32 $0x200, s0;
	v13 =	vld.idx.msk [tilespmem:v20+s14+$0x0], $0xffff;
	[tilespmem:s3+$0xFFFFFF40] =	vst v18;
	v18 =	vadd.s32 s28, v5  }
0x112: {  	v20 =	vld.idx.msk [tilespmem:v24+s14+$0x0], $0xffff;
	[tilespmem:s3+$0xFFFFFFC0] =	vst v26  }
0x113: {  	[tilespmem:s0+$0xFFFFFF00] =	vst v12;
	v12 =	vld.idx.msk [tilespmem:v28+s14+$0x0], $0xffff  }
0x114: {  	v15 =	vld.idx.msk [tilespmem:v15+s14+$0x0], $0xffff;
	[tilespmem:s26+$0xFFFFFFA0] =	vst v19;
	v19 =	vadd.s32 s25, v6  }
0x115: {  	v23 =	vadd.s32 s30, v6;
	v16 =	vld.idx.msk [tilespmem:v16+s14+$0x0], $0xffff;
	[tilespmem:s3+$0xC0] =	vst v21  }
0x116: {  	[tilespmem:s26+$0x90] =	vst v27;
	v18 =	vld.idx.msk [tilespmem:v18+s14+$0x0], $0xffff  }
0x117: {  	v17 =	vld.idx.msk [tilespmem:v17+s14+$0x0], $0xffff;
	[tilespmem:s26+$0x30] =	vst v13;
	v13 =	vadd.s32 s29, v6  }
0x118: {  	v21 =	vld.idx.msk [tilespmem:v25+s14+$0x0], $0xffff;
	[tilespmem:s3+$0xFFFFFF50] =	vst v20;
	v20 =	vadd.s32 s28, v6  }
0x119: {  	v24 =	vadd.s32 s12, v4;
	v19 =	vld.idx.msk [tilespmem:v19+s14+$0x0], $0xffff;
	[tilespmem:s3+$0xFFFFFFD0] =	vst v12  }
0x11a: {  	v12 =	vadd.s32 s2, v2;
	[tilespmem:s0+$0x0] =	vst v15;
	v15 =	vld.idx.msk [tilespmem:v23+s14+$0x0], $0xffff  }
0x11b: {  	v25 =	vld.idx.msk [tilespmem:v22+s14+$0x0], $0xffff;
	v22 =	vadd.s32 s25, v7;
	[tilespmem:s3+$0x50] =	vst v14;
	s25 =	smov.u32 s31;
	s31 =	smov.u32 s11  }
0x11c: {  	v14 =	vadd.s32 s25, v3;
	v13 =	vld.idx.msk [tilespmem:v13+s14+$0x0], $0xffff;
	[tilespmem:s3+$0xD0] =	vst v18  }
0x11d: {  	[tilespmem:s26+$0xFFFFFFB0] =	vst v16;
	v16 =	vadd.s32 s30, v7;
	v18 =	vld.idx.msk [tilespmem:v20+s14+$0x0], $0xffff;
	s30 =	smov.u32 s7;
	s7 =	smov.u32 s19  }
0x11e: {  	[tilespmem:s0+$0xFFFFFF80] =	vst v17;
	v20 =	vld.idx.msk [tilespmem:v24+s14+$0x0], $0xffff;
	v24 =	vadd.s32 s29, v7;
	s29 =	smov.u32 s12;
	s12 =	smov.u32 s21  }
0x11f: {  	v26 =	vld.idx.msk [tilespmem:v12+s14+$0x0], $0xffff;
	[tilespmem:s3+$0xFFFFFF60] =	vst v19  }
0x120: {  	v19 =	vadd.s32 s28, v7;
	s28 =	smov.u32 s2;
	s2 =	smov.u32 s13;
	[tilespmem:s0+$0xFFFFFF10] =	vst v21;
	v12 =	vld.idx.msk [tilespmem:v22+s14+$0x0], $0xffff  }
0x121: {  	v27 =	vadd.s32 s12, v2;
	v17 =	vld.idx.msk [tilespmem:v14+s14+$0x0], $0xffff;
	[tilespmem:s3+$0xFFFFFFE0] =	vst v15  }
.Ltmp3:
0x122: {  	v14 =	vadd.s32 s29, v5;
	v15 =	vld.idx.msk [tilespmem:v16+s14+$0x0], $0xffff;
	[tilespmem:s3+$0x60] =	vst v13;
	(pc) =	sbr.rel @p1 .LBB2_5-.Ltmp3, $4  }
0x123: {  	v23 =	vadd.s32 s28, v3;
	v16 =	vld.idx.msk [tilespmem:v24+s14+$0x0], $0xffff;
	[tilespmem:s3+$0xE0] =	vst v18  }
0x124: {  	v22 =	vadd.s32 s11, v2;
	v18 =	vld.idx.msk [tilespmem:v29+s14+$0x0], $0xffff;
	[tilespmem:s0+$0x10] =	vst v25  }
0x125: {  	v21 =	vadd.s32 s25, v4;
	[tilespmem:s26+$0x40] =	vst v20;
	v20 =	vld.idx.msk [tilespmem:v19+s14+$0x0], $0xffff  }
0x126: {  	s11 =	sadd.s32 $0x200, s11;
	v19 =	vadd.s32 s7, v2;
	v13 =	vld.idx.msk [tilespmem:v27+s14+$0x0], $0xffff;
	[tilespmem:s26+$0xA0] =	vst v26  }
0x127: {  	_ = 	snop  }
0x128: {  	[tilespmem:s26+$0xFFFFFF30] =	vst v17  }
0x129: {  	[tilespmem:s3+$0xFFFFFFF0] =	vst v15  }
0x12a: {  	[tilespmem:s0+$0x80] =	vst v8  }
0x12b: {  	v58 =	vld.idx.msk [tilespmem:v23+s14+$0x0], $0xffff;
	[tilespmem:s3+$0xFFFFFF70] =	vst v12  }
0x12c: {  	v59 =	vld.idx.msk [tilespmem:v22+s14+$0x0], $0xffff;
	v8 =	vadd.s32 s12, v3;
	[tilespmem:s3+$0x70] =	vst v16  }
0x12d: {  	v60 =	vadd.s32 s28, v4;
	v11 =	vld.idx.msk [tilespmem:v11+s14+$0x0], $0xffff;
	[tilespmem:s0+$0xFFFFFF90] =	vst v18  }
0x12e: {  	v62 =	vadd.s32 s2, v2;
	v10 =	vld.idx.msk [tilespmem:v10+s14+$0x0], $0xffff;
	[tilespmem:s3+$0xF0] =	vst v20  }
0x12f: {  	v14 =	vld.idx.msk [tilespmem:v14+s14+$0x0], $0xffff;
	[tilespmem:s0+$0x20] =	vst v13  }
0x130: {  	v25 =	vadd.s32 s30, v5;
	v24 =	vld.idx.msk [tilespmem:v19+s14+$0x0], $0xffff;
	[tilespmem:s26+$0xB0] =	vst v58  }
0x131: {  	v32 =	vadd.s32 s31, v3;
	[tilespmem:s0+$0xFFFFFF20] =	vst v59;
	v8 =	vld.idx.msk [tilespmem:v8+s14+$0x0], $0xffff  }
0x132: {  	v27 =	vadd.s32 s7, v3;
	v26 =	vld.idx.msk [tilespmem:v60+s14+$0x0], $0xffff;
	[tilespmem:s0+$0x90] =	vst v11  }
0x133: {  	v28 =	vadd.s32 s28, v5;
	[tilespmem:s26+$0xFFFFFFC0] =	vst v10;
	v12 =	vld.idx.msk [tilespmem:v62+s14+$0x0], $0xffff  }
0x134: {  	v30 =	vadd.s32 s2, v3;
	v61 =	vld.idx.msk [tilespmem:v21+s14+$0x0], $0xffff;
	[tilespmem:s26+$0x50] =	vst v14  }
0x135: {  	v39 =	vadd.s32 s29, v6;
	v31 =	vld.idx.msk [tilespmem:v25+s14+$0x0], $0xffff;
	[tilespmem:s0+$0xFFFFFFA0] =	vst v24  }
0x136: {  	v63 =	vadd.s32 s25, v5;
	v36 =	vld.idx.msk [tilespmem:v32+s14+$0x0], $0xffff;
	[tilespmem:s0+$0x30] =	vst v8  }
0x137: {  	v35 =	vadd.s32 s12, v4;
	v13 =	vld.idx.msk [tilespmem:v27+s14+$0x0], $0xffff;
	[tilespmem:s26+$0xC0] =	vst v26  }
0x138: {  	v34 =	vadd.s32 s30, v6;
	v8 =	vld.idx.msk [tilespmem:v28+s14+$0x0], $0xffff;
	[tilespmem:s0+$0xA0] =	vst v12  }
0x139: {  	[tilespmem:s26+$0xFFFFFF40] =	vst v61;
	v10 =	vld.idx.msk [tilespmem:v30+s14+$0x0], $0xffff  }
0x13a: {  	v37 =	vadd.s32 s2, v4;
	v46 =	vld.idx.msk [tilespmem:v39+s14+$0x0], $0xffff;
	[tilespmem:s26+$0xFFFFFFD0] =	vst v31  }
0x13b: {  	v38 =	vadd.s32 s31, v4;
	v29 =	vld.idx.msk [tilespmem:v63+s14+$0x0], $0xffff;
	[tilespmem:s0+$0xFFFFFF30] =	vst v36  }
0x13c: {  	v33 =	vadd.s32 s25, v6;
	v41 =	vld.idx.msk [tilespmem:v35+s14+$0x0], $0xffff;
	[tilespmem:s0+$0xFFFFFFB0] =	vst v13  }
0x13d: {  	v40 =	vadd.s32 s28, v6;
	v16 =	vld.idx.msk [tilespmem:v34+s14+$0x0], $0xffff;
	[tilespmem:s26+$0xD0] =	vst v8  }
0x13e: {  	v43 =	vadd.s32 s12, v5;
	v8 =	vld.idx.msk [tilespmem:v9+s14+$0x0], $0xffff;
	[tilespmem:s0+$0xB0] =	vst v10  }
0x13f: {  	v42 =	vadd.s32 s7, v5;
	[tilespmem:s26+$0x60] =	vst v46;
	v44 =	vld.idx.msk [tilespmem:v37+s14+$0x0], $0xffff  }
0x140: {  	v45 =	vadd.s32 s2, v5;
	[tilespmem:s26+$0xFFFFFF50] =	vst v29;
	v14 =	vld.idx.msk [tilespmem:v38+s14+$0x0], $0xffff  }
0x141: {  	v47 =	vadd.s32 s31, v5;
	v17 =	vld.idx.msk [tilespmem:v33+s14+$0x0], $0xffff;
	[tilespmem:s0+$0x40] =	vst v41  }
0x142: {  	v48 =	vadd.s32 s30, v7;
	[tilespmem:s26+$0xFFFFFFE0] =	vst v16;
	v13 =	vld.idx.msk [tilespmem:v40+s14+$0x0], $0xffff  }
0x143: {  	v10 =	vld.idx.msk [tilespmem:v43+s14+$0x0], $0xffff;
	[tilespmem:s0+$0xFFFFFFC0] =	vst v8;
	v8 =	vadd.s32 s29, v7  }
0x144: {  	v51 =	vadd.s32 s12, v6;
	v49 =	vld.idx.msk [tilespmem:v42+s14+$0x0], $0xffff;
	[tilespmem:s0+$0xC0] =	vst v44  }
0x145: {  	v50 =	vadd.s32 s7, v6;
	[tilespmem:s0+$0xFFFFFF40] =	vst v14;
	v12 =	vld.idx.msk [tilespmem:v45+s14+$0x0], $0xffff  }
0x146: {  	v53 =	vadd.s32 s2, v6;
	[tilespmem:s26+$0xFFFFFF60] =	vst v17;
	v52 =	vld.idx.msk [tilespmem:v47+s14+$0x0], $0xffff  }
0x147: {  	v55 =	vadd.s32 s31, v6;
	v54 =	vld.idx.msk [tilespmem:v48+s14+$0x0], $0xffff;
	[tilespmem:s26+$0xE0] =	vst v13  }
0x148: {  	v57 =	vadd.s32 s25, v7;
	[tilespmem:s0+$0x50] =	vst v10;
	v8 =	vld.idx.msk [tilespmem:v8+s14+$0x0], $0xffff  }
0x149: {  	v56 =	vadd.s32 s28, v7;
	v10 =	vld.idx.msk [tilespmem:v51+s14+$0x0], $0xffff;
	[tilespmem:s0+$0xFFFFFFD0] =	vst v49  }
0x14a: {  	v60 =	vadd.s32 s12, v7;
	v11 =	vld.idx.msk [tilespmem:v50+s14+$0x0], $0xffff;
	[tilespmem:s0+$0xD0] =	vst v12  }
0x14b: {  	v58 =	vadd.s32 s7, v7;
	[tilespmem:s0+$0xFFFFFF50] =	vst v52;
	v59 =	vld.idx.msk [tilespmem:v53+s14+$0x0], $0xffff  }
0x14c: {  	v61 =	vadd.s32 s2, v7;
	[tilespmem:s26+$0xFFFFFFF0] =	vst v54;
	v13 =	vld.idx.msk [tilespmem:v55+s14+$0x0], $0xffff  }
0x14d: {  	v9 =	vld.idx.msk [tilespmem:v57+s14+$0x0], $0xffff;
	[tilespmem:s26+$0x70] =	vst v8;
	v8 =	vadd.s32 s31, v7  }
0x14e: {  	v62 =	vld.idx.msk [tilespmem:v56+s14+$0x0], $0xffff;
	[tilespmem:s0+$0x60] =	vst v10  }
0x14f: {  	v10 =	vld.idx.msk [tilespmem:v60+s14+$0x0], $0xffff;
	[tilespmem:s0+$0xFFFFFFE0] =	vst v11  }
0x150: {  	v11 =	vld.idx.msk [tilespmem:v58+s14+$0x0], $0xffff;
	[tilespmem:s0+$0xE0] =	vst v59  }
0x151: {  	[tilespmem:s0+$0xFFFFFF60] =	vst v13;
	v63 =	vld.idx.msk [tilespmem:v61+s14+$0x0], $0xffff  }
0x152: {  	[tilespmem:s26+$0xFFFFFF70] =	vst v9;
	v8 =	vld.idx.msk [tilespmem:v8+s14+$0x0], $0xffff  }
0x153: {  	s30 =	smul.u32 $0x6400, s24;
	[tilespmem:s26+$0xF0] =	vst v62  }
.Ltmp4:
0x154: {  	[tilespmem:s0+$0x70] =	vst v10;
	(pc) =	sbr.rel @p0 .LBB2_8-.Ltmp4, $4  }
0x155: {  	s2 =	sshrl.u32 s30, $0x3;
	[tilespmem:s0+$0xFFFFFFF0] =	vst v11  }
0x156: {  	s2 =	sadd.s32 s4, s2;
	[tilespmem:s0+$0xF0] =	vst v63  }
0x157: {  	s31 =	sadd.s32 $0x19000, s2;
	[tilespmem:s0+$0xFFFFFF70] =	vst v8  }
0x158: {  	[hbm4b:s31+s6] =	stream.linear.scatter [tilespmem:s18], [sflag:$0x4], $0x6400, $0x38;
	[tilespmem:$0x19080] =	vst v63  }
.Ltmp5:
0x159: {  	s0 =	sadd.s32 s10, s23;
	(pc) =	sbr.rel .LBB2_2-.Ltmp5, $3  }
0x15a: {  	s0 =	smul.u32 $0xC80, s0;
	_ =	sdelay $0x1  }
0x15b: {  	s22 =	sadd.s32 $0x1, s22;
	s0 =	sadd.s32 s1, s0  }
0x15c: {  	[tilespmem:s14], [sflag:$0x2] =	stream.linear.gather [hbm4b:s0+s6], $0x6400, $0x38;
	[tilespmem:$0x19080] =	vst v63  }
.LBB2_9:
0x15d: {  	_ =	sfence.sel $0x180000  }
0x15e: {  	[bflag:$0x0] =	sbarrier.arrive $0xFFFF  }
0x15f: {  	_ =	strace $0x90000047  }
0x160: {  	s0 =	stileid.u32;
	[bflag:$0x2] =	sbarrier.arrive $0xFFFF  }
0x161: {  	p0 =	sne.s32 s0, $0x0;
	s0 =	rddreg [dreg:$0x3]  }
0x162: {  	s0 =	sadd.s32 @!p0 $0x100000, s0  }
0x163: {  	[sflag:s0] =	ssyncadd.tile.s32 @!p0 $0x1;
	_ =	shalt  }
.Lfunc_end2:
_tile_overlayer_lowered:
.L_overlay_start_2:
0x164: {  	(tag) =	ssettag $0x2  }
0x165: {  	s0 =	rddreg [dreg:$0x0];
	s2 =	stileid.u32  }
0x166: {  	s1 =	rddreg [dreg:$0x1];
	p0 =	sne.s32 s2, $0x0  }
0x167: {  	s3 =	rddreg [dreg:$0x2];
	[bflag:$0x3] =	sbarrier.arrive $0xFFFF;
	s2 =	simm.s32 @!p0 $0x1C05  }
0x168: {  	[timem:s3], [sflag:s2] =	dma.local @!p0 [hbm:s0], s1  }
0x169: {  	s0 =	simm.s32 @!p0 $0x5  }
0x16a: {  	_ =	swait.ge @!p0 [sflag:s0], s1  }
0x16b: {  	s1 =	ssub.s32 @!p0 $0x0, s1;
	[sflag:s0] =	ssyncset.done @!p0 $0x0  }
0x16c: {  	[sflag:s0] =	ssyncadd.s32 @!p0 s1  }
0x16d: {  	[bflag:$0x3] =	sbarrier.arrive $0xFFFF  }
0x16e: {  	_ =	shalt  }

</sc_bundles>
